<compile_context>
chip_gen: v7x
topology: tpu7x:2x2x1
jax: 0.10.2.dev20260603
libtpu: 0.0.44.dev20260713+nightly
codegen_flags: <defaults>
</compile_context>

<pallas_src>
import functools

import jax
import jax.numpy as jnp
from jax import lax
from jax.experimental import pallas as pl
from jax.experimental.pallas import tpu as pltpu
from jax.experimental.pallas import tpu_sc as plsc

_B = 4096
_F = 26
_VOCAB = 100000
_E = 16
_H1, _H2 = 64, 32
_S = 5
_DIN = _F * _E

_CHUNK = 128
_KSC = 13
_ROWS = _B * _KSC
_NCHT = _ROWS // _CHUNK
_NSEM = 8


def _sc_gather_body(nch, utab, itab, uidx, iidx, uout, iout,
                    uidx_v, iidx_v, urows_v, irows_v, sems):
    info = plsc.get_sparse_core_info()
    nc = info.num_cores
    wid = lax.axis_index("s") * nc + lax.axis_index("c")

    pltpu.sync_copy(uidx.at[wid], uidx_v)
    pltpu.sync_copy(iidx.at[wid], iidx_v)

    def fire(j, c):
        pltpu.async_copy(utab.at[uidx_v.at[j]], urows_v.at[j],
                         sems.at[lax.rem(2 * j, _NSEM)])
        pltpu.async_copy(itab.at[iidx_v.at[j]], irows_v.at[j],
                         sems.at[lax.rem(2 * j + 1, _NSEM)])
        return c

    lax.fori_loop(0, nch, fire, 0)

    def drain(j, c):
        pltpu.make_async_copy(utab.at[uidx_v.at[j]], urows_v.at[j],
                              sems.at[lax.rem(2 * j, _NSEM)]).wait()
        pltpu.make_async_copy(itab.at[iidx_v.at[j]], irows_v.at[j],
                              sems.at[lax.rem(2 * j + 1, _NSEM)]).wait()
        return c

    lax.fori_loop(0, nch, drain, 0)

    pltpu.sync_copy(urows_v, uout.at[wid])
    pltpu.sync_copy(irows_v, iout.at[wid])


def _sc_gather(utab, itab, uidx2, iidx2):
    info = plsc.get_sparse_core_info()
    nw = info.num_cores * info.num_subcores
    nch = _NCHT // nw
    mesh = plsc.VectorSubcoreMesh(core_axis_name="c", subcore_axis_name="s")
    out_t = jax.ShapeDtypeStruct((nw, nch, _CHUNK, _E), jnp.float32)
    f = pl.kernel(
        functools.partial(_sc_gather_body, nch),
        out_type=(out_t, out_t),
        mesh=mesh,
        scratch_types=[
            pltpu.VMEM((nch, _CHUNK), jnp.int32),
            pltpu.VMEM((nch, _CHUNK), jnp.int32),
            pltpu.VMEM((nch, _CHUNK, _E), jnp.float32),
            pltpu.VMEM((nch, _CHUNK, _E), jnp.float32),
            pltpu.SemaphoreType.DMA((_NSEM,)),
        ],
        compiler_params=pltpu.CompilerParams(use_tc_tiling_on_sc=False),
    )
    return f(utab, itab, uidx2, iidx2)


_TB = 256


def _towers_body(ux, ix, wu1, bu1, wu2, bu2, wi1, bi1, wi2, bi2, uo, io):
    u = jnp.maximum(jnp.dot(ux[...].astype(jnp.float32), wu1[...],
                            preferred_element_type=jnp.float32) + bu1[...], 0.0)
    u = jnp.maximum(jnp.dot(u, wu2[...],
                            preferred_element_type=jnp.float32) + bu2[...], 0.0)
    uo[...] = u
    it = jnp.maximum(jnp.dot(ix[...].astype(jnp.float32), wi1[...],
                             preferred_element_type=jnp.float32) + bi1[...], 0.0)
    it = jnp.maximum(jnp.dot(it, wi2[...],
                             preferred_element_type=jnp.float32) + bi2[...], 0.0)
    io[...] = it


def _towers(ux, ix, wu1, bu1, wu2, bu2, wi1, bi1, wi2, bi2):
    grid = (_B // _TB,)
    row_spec = pl.BlockSpec((_TB, _DIN), lambda t: (t, 0))
    out_spec = pl.BlockSpec((_TB, _H2), lambda t: (t, 0))

    def full(shape):
        return pl.BlockSpec(shape, lambda t: tuple(0 for _ in shape))

    return pl.pallas_call(
        _towers_body,
        grid=grid,
        in_specs=[row_spec, row_spec,
                  full((_DIN, _H1)), full((1, _H1)), full((_H1, _H2)), full((1, _H2)),
                  full((_DIN, _H1)), full((1, _H1)), full((_H1, _H2)), full((1, _H2))],
        out_specs=[out_spec, out_spec],
        out_shape=[jax.ShapeDtypeStruct((_B, _H2), jnp.float32),
                   jax.ShapeDtypeStruct((_B, _H2), jnp.float32)],
    )(ux, ix, wu1, bu1, wu2, bu2, wi1, bi1, wi2, bi2)


def _loss_body(uo, io, lbl, smp, loss):
    u = uo[...]
    it = io[...]
    lblc = lbl[...]
    cols = lax.broadcasted_iota(jnp.int32, (_TB, _B), 1)
    onehot = (cols == lblc).astype(jnp.float32)
    true_w = jnp.dot(onehot, it, preferred_element_type=jnp.float32)
    t = jnp.sum(u * true_w, axis=1, keepdims=True)

    svals = smp[...][:, 0:1]
    scols = lax.broadcasted_iota(jnp.int32, (8, _B), 1)
    smat = (scols == svals).astype(jnp.float32)
    sw = jnp.dot(smat, it, preferred_element_type=jnp.float32)

    m = t
    sls = []
    for j in range(_S):
        slj = jnp.sum(u * sw[j:j + 1, :], axis=1, keepdims=True)
        sls.append(slj)
        m = jnp.maximum(m, slj)
    denom = jnp.exp(t - m)
    for slj in sls:
        denom = denom + jnp.exp(slj - m)
    loss[...] = jnp.log(denom) + m - t


def _loss(uo, io, lbl2, smp):
    grid = (_B // _TB,)
    return pl.pallas_call(
        _loss_body,
        grid=grid,
        in_specs=[pl.BlockSpec((_TB, _H2), lambda t: (t, 0)),
                  pl.BlockSpec((_B, _H2), lambda t: (0, 0)),
                  pl.BlockSpec((_TB, 1), lambda t: (t, 0)),
                  pl.BlockSpec((8, 128), lambda t: (0, 0))],
        out_specs=pl.BlockSpec((_TB, 1), lambda t: (t, 0)),
        out_shape=jax.ShapeDtypeStruct((_B, 1), jnp.float32),
    )(uo, io, lbl2, smp)


def kernel(user_sparse_inputs, user_dense_inputs, item_sparse_inputs,
           item_dense_inputs, labels, user_tables, item_tables,
           W_u1, b_u1, W_u2, b_u2, W_i1, b_i1, W_i2, b_i2):
    info = plsc.get_sparse_core_info()
    nw = info.num_cores * info.num_subcores
    nch = _NCHT // nw
    offs = (jnp.arange(_KSC, dtype=jnp.int32) * _VOCAB)[None, :]
    usp = user_sparse_inputs.astype(jnp.int32)
    isp = item_sparse_inputs.astype(jnp.int32)
    uidx = (usp[:, :_KSC] + offs).reshape(nw, nch, _CHUNK)
    iidx = (isp[:, :_KSC] + offs).reshape(nw, nch, _CHUNK)
    utab = user_tables[:_KSC].reshape(_KSC * _VOCAB, _E)
    itab = item_tables[:_KSC].reshape(_KSC * _VOCAB, _E)

    uemb, iemb = _sc_gather(utab, itab, uidx, iidx)

    def _tc_take(tabs, idx):
        embs = jax.vmap(lambda t, i: jnp.take(t, i, axis=0),
                        in_axes=(0, 1))(tabs, idx)
        return jnp.transpose(embs, (1, 0, 2)).reshape(_B, (_F - _KSC) * _E)

    ux = jnp.concatenate(
        [uemb.reshape(_B, _KSC * _E), _tc_take(user_tables[_KSC:], usp[:, _KSC:])],
        axis=1)
    ix = jnp.concatenate(
        [iemb.reshape(_B, _KSC * _E), _tc_take(item_tables[_KSC:], isp[:, _KSC:])],
        axis=1)

    uo, io = _towers(ux, ix, W_u1, b_u1.reshape(1, _H1), W_u2, b_u2.reshape(1, _H2),
                     W_i1, b_i1.reshape(1, _H1), W_i2, b_i2.reshape(1, _H2))

    sampled = jax.random.randint(jax.random.key(42), (_S,), 0, _B)
    smp = jnp.zeros((8, 128), jnp.int32).at[:_S, 0].set(sampled)
    lbl2 = labels.reshape(_B, 1).astype(jnp.int32)

    loss = _loss(uo, io, lbl2, smp)
    return loss.reshape(_B)

# --- scband reference (transcript-rebuilt; emitter-appended) ---
"""Pipeline reference for scband-youtube-dnn-33466385170801 (READ-ONLY COPY).

The authoritative reference and input builder live on the scoring server;
editing this copy changes nothing except your own understanding.
"""

import jax, jax.numpy as jnp
import numpy as np

B = 4096
NUM_FIELDS = 26
VOCAB = 100000
EMB = 16
H1, H2 = 64, 32
NUM_SAMPLED = 5
D_IN = NUM_FIELDS * EMB


def setup_inputs(seed: int = 0) -> dict:
    key = jax.random.key(seed)
    ks = jax.random.split(key, 14)
    user_sparse_inputs = jax.random.randint(ks[0], (B, NUM_FIELDS), 0, VOCAB)
    item_sparse_inputs = jax.random.randint(ks[1], (B, NUM_FIELDS), 0, VOCAB)
    user_dense_inputs = jnp.zeros((B, 1), jnp.float32)
    item_dense_inputs = jnp.zeros((B, 1), jnp.float32)
    labels = jax.random.randint(ks[2], (B, 1), 0, B)
    user_tables = jax.random.uniform(ks[3], (NUM_FIELDS, VOCAB, EMB), minval=-0.05, maxval=0.05, dtype=jnp.float32)
    item_tables = jax.random.uniform(ks[4], (NUM_FIELDS, VOCAB, EMB), minval=-0.05, maxval=0.05, dtype=jnp.float32)
    W_u1 = jax.random.normal(ks[5], (D_IN, H1), jnp.float32) * 0.02
    b_u1 = jnp.zeros((H1,), jnp.float32)
    W_u2 = jax.random.normal(ks[6], (H1, H2), jnp.float32) * 0.02
    b_u2 = jnp.zeros((H2,), jnp.float32)
    W_i1 = jax.random.normal(ks[7], (D_IN, H1), jnp.float32) * 0.02
    b_i1 = jnp.zeros((H1,), jnp.float32)
    W_i2 = jax.random.normal(ks[8], (H1, H2), jnp.float32) * 0.02
    b_i2 = jnp.zeros((H2,), jnp.float32)
    return {"user_sparse_inputs": user_sparse_inputs, "user_dense_inputs": user_dense_inputs,
            "item_sparse_inputs": item_sparse_inputs, "item_dense_inputs": item_dense_inputs,
            "labels": labels, "user_tables": user_tables, "item_tables": item_tables,
            "W_u1": W_u1, "b_u1": b_u1, "W_u2": W_u2, "b_u2": b_u2,
            "W_i1": W_i1, "b_i1": b_i1, "W_i2": W_i2, "b_i2": b_i2}


def _lookup(tables, idx):
    # per-field embedding lookup (SparseCore-style gather), then concat along feature dim
    embs = jax.vmap(lambda t, i: jnp.take(t, i, axis=0), in_axes=(0, 1))(tables, idx)  # [F, B, E]
    return jnp.transpose(embs, (1, 0, 2)).reshape(idx.shape[0], -1)


def _dnn(x, W1, b1, W2, b2):
    h = jax.nn.relu(x @ W1 + b1)
    return jax.nn.relu(h @ W2 + b2)


def reference(user_sparse_inputs, user_dense_inputs, item_sparse_inputs, item_dense_inputs, labels,
              user_tables, item_tables, W_u1, b_u1, W_u2, b_u2, W_i1, b_i1, W_i2, b_i2):
    user_dnn_out = _dnn(_lookup(user_tables, user_sparse_inputs), W_u1, b_u1, W_u2, b_u2)
    item_dnn_out = _dnn(_lookup(item_tables, item_sparse_inputs), W_i1, b_i1, W_i2, b_i2)
    # SampledSoftmaxLayer: weights = item tower outputs (in-batch classes), zero bias,
    # inputs = user tower outputs, deterministic uniform negative sampling.
    lbl = labels.reshape(-1)
    sampled = jax.random.randint(jax.random.key(42), (NUM_SAMPLED,), 0, B)
    true_w = jnp.take(item_dnn_out, lbl, axis=0)                 # [B, H2]
    true_logits = jnp.sum(user_dnn_out * true_w, axis=-1)        # [B]
    sampled_w = jnp.take(item_dnn_out, sampled, axis=0)          # [S, H2]
    sampled_logits = user_dnn_out @ sampled_w.T                  # [B, S]
    logits = jnp.concatenate([true_logits[:, None], sampled_logits], axis=1)
    loss = -jax.nn.log_softmax(logits, axis=-1)[:, 0]            # [B]
    return loss

if __name__ == "__main__":
    import jax
    _d = setup_inputs()
    print(jax.jit(kernel)(*tuple(_d.values())))

</pallas_src>

<mosaic_0001>
#map = affine_map<(d0, d1) -> (0, 0)>
#map1 = affine_map<(d0, d1) -> (0, 0, 0)>
#map2 = affine_map<(d0, d1) -> (0, 0, 0, 0)>
module attributes {stable_mosaic.version = 14 : i64} {
  func.func @_sc_gather_body(%arg0: i32, %arg1: i32, %arg2: memref<1300000x16xf32, #tpu.memory_space<hbm>>, %arg3: memref<1300000x16xf32, #tpu.memory_space<hbm>>, %arg4: memref<32x13x128xi32, #tpu.memory_space<hbm>>, %arg5: memref<32x13x128xi32, #tpu.memory_space<hbm>>, %arg6: memref<32x13x128x16xf32, #tpu.memory_space<hbm>>, %arg7: memref<32x13x128x16xf32, #tpu.memory_space<hbm>>, %arg8: memref<13x128xi32, #tpu.memory_space<vmem>>, %arg9: memref<13x128xi32, #tpu.memory_space<vmem>>, %arg10: memref<13x128x16xf32, #tpu.memory_space<vmem>>, %arg11: memref<13x128x16xf32, #tpu.memory_space<vmem>>, %arg12: memref<8x!tpu.dma_semaphore, #tpu.memory_space<semaphore_mem>>) attributes {dimension_semantics = [#tpu.dimension_semantics<core_parallel>, #tpu.dimension_semantics<subcore_parallel>], iteration_bounds = array<i64: 2, 16>, scalar_prefetch = 0 : i64, scratch_operands = 5 : i64, tpu.core_type = #tpu.core_type<sc_vector_subcore>, window_params = [{transform_indices = #map}, {transform_indices = #map}, {transform_indices = #map1}, {transform_indices = #map1}, {transform_indices = #map2}, {transform_indices = #map2}]} {
    %mul3A = arith.constant 2 : i32
    %mul3A_0 = arith.muli %arg1, %mul3A : i32
    %add3A = arith.addi %mul3A_0, %arg0 : i32
    "tpu.region"() ({
      %run_scoped3A = tpu.sem_alloc : memref<!tpu.dma_semaphore, #tpu.memory_space<semaphore_mem>>
      %dma_start3A = arith.constant 0 : i32
      %dma_start3A_12 = arith.constant 0 : i32
      %dma_start3A_13 = tpu.memref_slice %arg4[%add3A, %dma_start3A, %dma_start3A_12] : memref<32x13x128xi32, #tpu.memory_space<hbm>> -> memref<1x13x128xi32, #tpu.memory_space<hbm>>
      %dma_start3A_14 = tpu.memref_squeeze %dma_start3A_13 : memref<1x13x128xi32, #tpu.memory_space<hbm>> -> memref<13x128xi32, #tpu.memory_space<hbm>>
      %dma_start3A_15 = arith.constant 0 : i32
      %dma_start3A_16 = arith.constant 0 : i32
      %dma_start3A_17 = tpu.memref_slice %arg4[%add3A, %dma_start3A_15, %dma_start3A_16] : memref<32x13x128xi32, #tpu.memory_space<hbm>> -> memref<1x13x128xi32, #tpu.memory_space<hbm>>
      %dma_start3A_18 = tpu.memref_squeeze %dma_start3A_17 : memref<1x13x128xi32, #tpu.memory_space<hbm>> -> memref<13x128xi32, #tpu.memory_space<hbm>>
      tpu.enqueue_dma source(%dma_start3A_18 : memref<13x128xi32, #tpu.memory_space<hbm>>) target(%arg8 : memref<13x128xi32, #tpu.memory_space<vmem>>) target_semaphore(%run_scoped3A : memref<!tpu.dma_semaphore, #tpu.memory_space<semaphore_mem>>)
      %dma_wait3A = arith.constant 0 : i32
      %dma_wait3A_19 = arith.constant 0 : i32
      %dma_wait3A_20 = tpu.memref_slice %arg4[%add3A, %dma_wait3A, %dma_wait3A_19] : memref<32x13x128xi32, #tpu.memory_space<hbm>> -> memref<1x13x128xi32, #tpu.memory_space<hbm>>
      %dma_wait3A_21 = tpu.memref_squeeze %dma_wait3A_20 : memref<1x13x128xi32, #tpu.memory_space<hbm>> -> memref<13x128xi32, #tpu.memory_space<hbm>>
      %dma_wait3A_22 = arith.constant 0 : i32
      %dma_wait3A_23 = arith.constant 0 : i32
      %dma_wait3A_24 = tpu.memref_slice %arg4[%add3A, %dma_wait3A_22, %dma_wait3A_23] : memref<32x13x128xi32, #tpu.memory_space<hbm>> -> memref<1x13x128xi32, #tpu.memory_space<hbm>>
      %dma_wait3A_25 = tpu.memref_squeeze %dma_wait3A_24 : memref<1x13x128xi32, #tpu.memory_space<hbm>> -> memref<13x128xi32, #tpu.memory_space<hbm>>
      tpu.wait_dma2 semaphore(%run_scoped3A : memref<!tpu.dma_semaphore, #tpu.memory_space<semaphore_mem>>) src(%dma_wait3A_25 : memref<13x128xi32, #tpu.memory_space<hbm>>) dst(%arg8 : memref<13x128xi32, #tpu.memory_space<vmem>>)
      tpu.yield
    }) : () -> ()
    "tpu.region"() ({
      %run_scoped3A = tpu.sem_alloc : memref<!tpu.dma_semaphore, #tpu.memory_space<semaphore_mem>>
      %dma_start3A = arith.constant 0 : i32
      %dma_start3A_12 = arith.constant 0 : i32
      %dma_start3A_13 = tpu.memref_slice %arg5[%add3A, %dma_start3A, %dma_start3A_12] : memref<32x13x128xi32, #tpu.memory_space<hbm>> -> memref<1x13x128xi32, #tpu.memory_space<hbm>>
      %dma_start3A_14 = tpu.memref_squeeze %dma_start3A_13 : memref<1x13x128xi32, #tpu.memory_space<hbm>> -> memref<13x128xi32, #tpu.memory_space<hbm>>
      %dma_start3A_15 = arith.constant 0 : i32
      %dma_start3A_16 = arith.constant 0 : i32
      %dma_start3A_17 = tpu.memref_slice %arg5[%add3A, %dma_start3A_15, %dma_start3A_16] : memref<32x13x128xi32, #tpu.memory_space<hbm>> -> memref<1x13x128xi32, #tpu.memory_space<hbm>>
      %dma_start3A_18 = tpu.memref_squeeze %dma_start3A_17 : memref<1x13x128xi32, #tpu.memory_space<hbm>> -> memref<13x128xi32, #tpu.memory_space<hbm>>
      tpu.enqueue_dma source(%dma_start3A_18 : memref<13x128xi32, #tpu.memory_space<hbm>>) target(%arg9 : memref<13x128xi32, #tpu.memory_space<vmem>>) target_semaphore(%run_scoped3A : memref<!tpu.dma_semaphore, #tpu.memory_space<semaphore_mem>>)
      %dma_wait3A = arith.constant 0 : i32
      %dma_wait3A_19 = arith.constant 0 : i32
      %dma_wait3A_20 = tpu.memref_slice %arg5[%add3A, %dma_wait3A, %dma_wait3A_19] : memref<32x13x128xi32, #tpu.memory_space<hbm>> -> memref<1x13x128xi32, #tpu.memory_space<hbm>>
      %dma_wait3A_21 = tpu.memref_squeeze %dma_wait3A_20 : memref<1x13x128xi32, #tpu.memory_space<hbm>> -> memref<13x128xi32, #tpu.memory_space<hbm>>
      %dma_wait3A_22 = arith.constant 0 : i32
      %dma_wait3A_23 = arith.constant 0 : i32
      %dma_wait3A_24 = tpu.memref_slice %arg5[%add3A, %dma_wait3A_22, %dma_wait3A_23] : memref<32x13x128xi32, #tpu.memory_space<hbm>> -> memref<1x13x128xi32, #tpu.memory_space<hbm>>
      %dma_wait3A_25 = tpu.memref_squeeze %dma_wait3A_24 : memref<1x13x128xi32, #tpu.memory_space<hbm>> -> memref<13x128xi32, #tpu.memory_space<hbm>>
      tpu.wait_dma2 semaphore(%run_scoped3A : memref<!tpu.dma_semaphore, #tpu.memory_space<semaphore_mem>>) src(%dma_wait3A_25 : memref<13x128xi32, #tpu.memory_space<hbm>>) dst(%arg9 : memref<13x128xi32, #tpu.memory_space<vmem>>)
      tpu.yield
    }) : () -> ()
    %scan3A = arith.constant 0 : i32
    %scan3A_1 = arith.constant 0 : i32
    %scan3A_2 = arith.constant 13 : i32
    %scan3A_3 = arith.addi %scan3A_1, %scan3A_2 : i32
    %scan3A_4 = arith.constant 1 : i32
    scf.for %scan3A_12 = %scan3A_1 to %scan3A_3 step %scan3A_4  : i32 {
      %mul3A_13 = arith.constant 2 : i32
      %mul3A_14 = arith.muli %mul3A_13, %scan3A_12 : i32
      %rem3A = arith.constant 8 : i32
      %rem3A_15 = arith.remsi %mul3A_14, %rem3A : i32
      %dma_start3A = arith.constant 0 : i32
      %dma_start3A_16 = arith.constant 0 : i32
      %dma_start3A_17 = tpu.memref_slice %arg10[%scan3A_12, %dma_start3A, %dma_start3A_16] : memref<13x128x16xf32, #tpu.memory_space<vmem>> -> memref<1x128x16xf32, #tpu.memory_space<vmem>>
      %dma_start3A_18 = tpu.memref_squeeze %dma_start3A_17 : memref<1x128x16xf32, #tpu.memory_space<vmem>> -> memref<128x16xf32, #tpu.memory_space<vmem>>
      %dma_start3A_19 = arith.constant 0 : i32
      %dma_start3A_20 = tpu.memref_slice %arg8[%scan3A_12, %dma_start3A_19] : memref<13x128xi32, #tpu.memory_space<vmem>> -> memref<1x128xi32, #tpu.memory_space<vmem>>
      %dma_start3A_21 = tpu.memref_squeeze %dma_start3A_20 : memref<1x128xi32, #tpu.memory_space<vmem>> -> memref<128xi32, #tpu.memory_space<vmem>>
      %dma_start3A_22 = arith.constant 0 : i32
      %dma_start3A_23 = arith.constant 0 : i32
      %dma_start3A_24 = tpu.memref_slice %arg2[%dma_start3A_22, %dma_start3A_23] : memref<1300000x16xf32, #tpu.memory_space<hbm>> -> memref<1300000x16xf32, #tpu.memory_space<hbm>>
      %dma_start3A_25 = tpu.memref_slice %arg12[%rem3A_15] : memref<8x!tpu.dma_semaphore, #tpu.memory_space<semaphore_mem>> -> memref<1x!tpu.dma_semaphore, #tpu.memory_space<semaphore_mem>>
      %dma_start3A_26 = tpu.memref_squeeze %dma_start3A_25 : memref<1x!tpu.dma_semaphore, #tpu.memory_space<semaphore_mem>> -> memref<!tpu.dma_semaphore, #tpu.memory_space<semaphore_mem>>
      tpu.enqueue_indirect_dma source(%dma_start3A_24 : memref<1300000x16xf32, #tpu.memory_space<hbm>>) target(%dma_start3A_18 : memref<128x16xf32, #tpu.memory_space<vmem>>) offsets(%dma_start3A_21 : memref<128xi32, #tpu.memory_space<vmem>>) semaphore(%dma_start3A_26 : memref<!tpu.dma_semaphore, #tpu.memory_space<semaphore_mem>>)
      %mul3A_27 = arith.constant 2 : i32
      %mul3A_28 = arith.muli %mul3A_27, %scan3A_12 : i32
      %add3A_29 = arith.constant 1 : i32
      %add3A_30 = arith.addi %mul3A_28, %add3A_29 : i32
      %rem3A_31 = arith.constant 8 : i32
      %rem3A_32 = arith.remsi %add3A_30, %rem3A_31 : i32
      %dma_start3A_33 = arith.constant 0 : i32
      %dma_start3A_34 = arith.constant 0 : i32
      %dma_start3A_35 = tpu.memref_slice %arg11[%scan3A_12, %dma_start3A_33, %dma_start3A_34] : memref<13x128x16xf32, #tpu.memory_space<vmem>> -> memref<1x128x16xf32, #tpu.memory_space<vmem>>
      %dma_start3A_36 = tpu.memref_squeeze %dma_start3A_35 : memref<1x128x16xf32, #tpu.memory_space<vmem>> -> memref<128x16xf32, #tpu.memory_space<vmem>>
      %dma_start3A_37 = arith.constant 0 : i32
      %dma_start3A_38 = tpu.memref_slice %arg9[%scan3A_12, %dma_start3A_37] : memref<13x128xi32, #tpu.memory_space<vmem>> -> memref<1x128xi32, #tpu.memory_space<vmem>>
      %dma_start3A_39 = tpu.memref_squeeze %dma_start3A_38 : memref<1x128xi32, #tpu.memory_space<vmem>> -> memref<128xi32, #tpu.memory_space<vmem>>
      %dma_start3A_40 = arith.constant 0 : i32
      %dma_start3A_41 = arith.constant 0 : i32
      %dma_start3A_42 = tpu.memref_slice %arg3[%dma_start3A_40, %dma_start3A_41] : memref<1300000x16xf32, #tpu.memory_space<hbm>> -> memref<1300000x16xf32, #tpu.memory_space<hbm>>
      %dma_start3A_43 = tpu.memref_slice %arg12[%rem3A_32] : memref<8x!tpu.dma_semaphore, #tpu.memory_space<semaphore_mem>> -> memref<1x!tpu.dma_semaphore, #tpu.memory_space<semaphore_mem>>
      %dma_start3A_44 = tpu.memref_squeeze %dma_start3A_43 : memref<1x!tpu.dma_semaphore, #tpu.memory_space<semaphore_mem>> -> memref<!tpu.dma_semaphore, #tpu.memory_space<semaphore_mem>>
      tpu.enqueue_indirect_dma source(%dma_start3A_42 : memref<1300000x16xf32, #tpu.memory_space<hbm>>) target(%dma_start3A_36 : memref<128x16xf32, #tpu.memory_space<vmem>>) offsets(%dma_start3A_39 : memref<128xi32, #tpu.memory_space<vmem>>) semaphore(%dma_start3A_44 : memref<!tpu.dma_semaphore, #tpu.memory_space<semaphore_mem>>)
    }
    %scan3A_5 = arith.constant 13 : i32
    %scan3A_6 = arith.constant 0 : i32
    %scan3A_7 = arith.constant 0 : i32
    %scan3A_8 = arith.constant 13 : i32
    %scan3A_9 = arith.addi %scan3A_7, %scan3A_8 : i32
    %scan3A_10 = arith.constant 1 : i32
    scf.for %scan3A_12 = %scan3A_7 to %scan3A_9 step %scan3A_10  : i32 {
      %mul3A_13 = arith.constant 2 : i32
      %mul3A_14 = arith.muli %mul3A_13, %scan3A_12 : i32
      %rem3A = arith.constant 8 : i32
      %rem3A_15 = arith.remsi %mul3A_14, %rem3A : i32
      %dma_wait3A = arith.constant 0 : i32
      %dma_wait3A_16 = arith.constant 0 : i32
      %dma_wait3A_17 = tpu.memref_slice %arg10[%scan3A_12, %dma_wait3A, %dma_wait3A_16] : memref<13x128x16xf32, #tpu.memory_space<vmem>> -> memref<1x128x16xf32, #tpu.memory_space<vmem>>
      %dma_wait3A_18 = tpu.memref_squeeze %dma_wait3A_17 : memref<1x128x16xf32, #tpu.memory_space<vmem>> -> memref<128x16xf32, #tpu.memory_space<vmem>>
      %dma_wait3A_19 = arith.constant 0 : i32
      %dma_wait3A_20 = tpu.memref_slice %arg8[%scan3A_12, %dma_wait3A_19] : memref<13x128xi32, #tpu.memory_space<vmem>> -> memref<1x128xi32, #tpu.memory_space<vmem>>
      %dma_wait3A_21 = tpu.memref_squeeze %dma_wait3A_20 : memref<1x128xi32, #tpu.memory_space<vmem>> -> memref<128xi32, #tpu.memory_space<vmem>>
      %dma_wait3A_22 = arith.constant 0 : i32
      %dma_wait3A_23 = arith.constant 0 : i32
      %dma_wait3A_24 = tpu.memref_slice %arg2[%dma_wait3A_22, %dma_wait3A_23] : memref<1300000x16xf32, #tpu.memory_space<hbm>> -> memref<1300000x16xf32, #tpu.memory_space<hbm>>
      %dma_wait3A_25 = tpu.memref_slice %arg12[%rem3A_15] : memref<8x!tpu.dma_semaphore, #tpu.memory_space<semaphore_mem>> -> memref<1x!tpu.dma_semaphore, #tpu.memory_space<semaphore_mem>>
      %dma_wait3A_26 = tpu.memref_squeeze %dma_wait3A_25 : memref<1x!tpu.dma_semaphore, #tpu.memory_space<semaphore_mem>> -> memref<!tpu.dma_semaphore, #tpu.memory_space<semaphore_mem>>
      tpu.wait_indirect_dma semaphore(%dma_wait3A_26 : memref<!tpu.dma_semaphore, #tpu.memory_space<semaphore_mem>>) src(%dma_wait3A_24 : memref<1300000x16xf32, #tpu.memory_space<hbm>>) dst(%dma_wait3A_18 : memref<128x16xf32, #tpu.memory_space<vmem>>)
      %mul3A_27 = arith.constant 2 : i32
      %mul3A_28 = arith.muli %mul3A_27, %scan3A_12 : i32
      %add3A_29 = arith.constant 1 : i32
      %add3A_30 = arith.addi %mul3A_28, %add3A_29 : i32
      %rem3A_31 = arith.constant 8 : i32
      %rem3A_32 = arith.remsi %add3A_30, %rem3A_31 : i32
      %dma_wait3A_33 = arith.constant 0 : i32
      %dma_wait3A_34 = arith.constant 0 : i32
      %dma_wait3A_35 = tpu.memref_slice %arg11[%scan3A_12, %dma_wait3A_33, %dma_wait3A_34] : memref<13x128x16xf32, #tpu.memory_space<vmem>> -> memref<1x128x16xf32, #tpu.memory_space<vmem>>
      %dma_wait3A_36 = tpu.memref_squeeze %dma_wait3A_35 : memref<1x128x16xf32, #tpu.memory_space<vmem>> -> memref<128x16xf32, #tpu.memory_space<vmem>>
      %dma_wait3A_37 = arith.constant 0 : i32
      %dma_wait3A_38 = tpu.memref_slice %arg9[%scan3A_12, %dma_wait3A_37] : memref<13x128xi32, #tpu.memory_space<vmem>> -> memref<1x128xi32, #tpu.memory_space<vmem>>
      %dma_wait3A_39 = tpu.memref_squeeze %dma_wait3A_38 : memref<1x128xi32, #tpu.memory_space<vmem>> -> memref<128xi32, #tpu.memory_space<vmem>>
      %dma_wait3A_40 = arith.constant 0 : i32
      %dma_wait3A_41 = arith.constant 0 : i32
      %dma_wait3A_42 = tpu.memref_slice %arg3[%dma_wait3A_40, %dma_wait3A_41] : memref<1300000x16xf32, #tpu.memory_space<hbm>> -> memref<1300000x16xf32, #tpu.memory_space<hbm>>
      %dma_wait3A_43 = tpu.memref_slice %arg12[%rem3A_32] : memref<8x!tpu.dma_semaphore, #tpu.memory_space<semaphore_mem>> -> memref<1x!tpu.dma_semaphore, #tpu.memory_space<semaphore_mem>>
      %dma_wait3A_44 = tpu.memref_squeeze %dma_wait3A_43 : memref<1x!tpu.dma_semaphore, #tpu.memory_space<semaphore_mem>> -> memref<!tpu.dma_semaphore, #tpu.memory_space<semaphore_mem>>
      tpu.wait_indirect_dma semaphore(%dma_wait3A_44 : memref<!tpu.dma_semaphore, #tpu.memory_space<semaphore_mem>>) src(%dma_wait3A_42 : memref<1300000x16xf32, #tpu.memory_space<hbm>>) dst(%dma_wait3A_36 : memref<128x16xf32, #tpu.memory_space<vmem>>)
    }
    %scan3A_11 = arith.constant 13 : i32
    "tpu.region"() ({
      %run_scoped3A = tpu.sem_alloc : memref<!tpu.dma_semaphore, #tpu.memory_space<semaphore_mem>>
      %dma_start3A = arith.constant 0 : i32
      %dma_start3A_12 = arith.constant 0 : i32
      %dma_start3A_13 = arith.constant 0 : i32
      %dma_start3A_14 = tpu.memref_slice %arg6[%add3A, %dma_start3A, %dma_start3A_12, %dma_start3A_13] : memref<32x13x128x16xf32, #tpu.memory_space<hbm>> -> memref<1x13x128x16xf32, #tpu.memory_space<hbm>>
      %dma_start3A_15 = tpu.memref_squeeze %dma_start3A_14 : memref<1x13x128x16xf32, #tpu.memory_space<hbm>> -> memref<13x128x16xf32, #tpu.memory_space<hbm>>
      %dma_start3A_16 = arith.constant 0 : i32
      %dma_start3A_17 = arith.constant 0 : i32
      %dma_start3A_18 = arith.constant 0 : i32
      %dma_start3A_19 = tpu.memref_slice %arg6[%add3A, %dma_start3A_16, %dma_start3A_17, %dma_start3A_18] : memref<32x13x128x16xf32, #tpu.memory_space<hbm>> -> memref<1x13x128x16xf32, #tpu.memory_space<hbm>>
      %dma_start3A_20 = tpu.memref_squeeze %dma_start3A_19 : memref<1x13x128x16xf32, #tpu.memory_space<hbm>> -> memref<13x128x16xf32, #tpu.memory_space<hbm>>
      tpu.enqueue_dma source(%arg10 : memref<13x128x16xf32, #tpu.memory_space<vmem>>) target(%dma_start3A_20 : memref<13x128x16xf32, #tpu.memory_space<hbm>>) target_semaphore(%run_scoped3A : memref<!tpu.dma_semaphore, #tpu.memory_space<semaphore_mem>>)
      %dma_wait3A = arith.constant 0 : i32
      %dma_wait3A_21 = arith.constant 0 : i32
      %dma_wait3A_22 = arith.constant 0 : i32
      %dma_wait3A_23 = tpu.memref_slice %arg6[%add3A, %dma_wait3A, %dma_wait3A_21, %dma_wait3A_22] : memref<32x13x128x16xf32, #tpu.memory_space<hbm>> -> memref<1x13x128x16xf32, #tpu.memory_space<hbm>>
      %dma_wait3A_24 = tpu.memref_squeeze %dma_wait3A_23 : memref<1x13x128x16xf32, #tpu.memory_space<hbm>> -> memref<13x128x16xf32, #tpu.memory_space<hbm>>
      %dma_wait3A_25 = arith.constant 0 : i32
      %dma_wait3A_26 = arith.constant 0 : i32
      %dma_wait3A_27 = arith.constant 0 : i32
      %dma_wait3A_28 = tpu.memref_slice %arg6[%add3A, %dma_wait3A_25, %dma_wait3A_26, %dma_wait3A_27] : memref<32x13x128x16xf32, #tpu.memory_space<hbm>> -> memref<1x13x128x16xf32, #tpu.memory_space<hbm>>
      %dma_wait3A_29 = tpu.memref_squeeze %dma_wait3A_28 : memref<1x13x128x16xf32, #tpu.memory_space<hbm>> -> memref<13x128x16xf32, #tpu.memory_space<hbm>>
      tpu.wait_dma2 semaphore(%run_scoped3A : memref<!tpu.dma_semaphore, #tpu.memory_space<semaphore_mem>>) src(%arg10 : memref<13x128x16xf32, #tpu.memory_space<vmem>>) dst(%dma_wait3A_29 : memref<13x128x16xf32, #tpu.memory_space<hbm>>)
      tpu.yield
    }) : () -> ()
    "tpu.region"() ({
      %run_scoped3A = tpu.sem_alloc : memref<!tpu.dma_semaphore, #tpu.memory_space<semaphore_mem>>
      %dma_start3A = arith.constant 0 : i32
      %dma_start3A_12 = arith.constant 0 : i32
      %dma_start3A_13 = arith.constant 0 : i32
      %dma_start3A_14 = tpu.memref_slice %arg7[%add3A, %dma_start3A, %dma_start3A_12, %dma_start3A_13] : memref<32x13x128x16xf32, #tpu.memory_space<hbm>> -> memref<1x13x128x16xf32, #tpu.memory_space<hbm>>
      %dma_start3A_15 = tpu.memref_squeeze %dma_start3A_14 : memref<1x13x128x16xf32, #tpu.memory_space<hbm>> -> memref<13x128x16xf32, #tpu.memory_space<hbm>>
      %dma_start3A_16 = arith.constant 0 : i32
      %dma_start3A_17 = arith.constant 0 : i32
      %dma_start3A_18 = arith.constant 0 : i32
      %dma_start3A_19 = tpu.memref_slice %arg7[%add3A, %dma_start3A_16, %dma_start3A_17, %dma_start3A_18] : memref<32x13x128x16xf32, #tpu.memory_space<hbm>> -> memref<1x13x128x16xf32, #tpu.memory_space<hbm>>
      %dma_start3A_20 = tpu.memref_squeeze %dma_start3A_19 : memref<1x13x128x16xf32, #tpu.memory_space<hbm>> -> memref<13x128x16xf32, #tpu.memory_space<hbm>>
      tpu.enqueue_dma source(%arg11 : memref<13x128x16xf32, #tpu.memory_space<vmem>>) target(%dma_start3A_20 : memref<13x128x16xf32, #tpu.memory_space<hbm>>) target_semaphore(%run_scoped3A : memref<!tpu.dma_semaphore, #tpu.memory_space<semaphore_mem>>)
      %dma_wait3A = arith.constant 0 : i32
      %dma_wait3A_21 = arith.constant 0 : i32
      %dma_wait3A_22 = arith.constant 0 : i32
      %dma_wait3A_23 = tpu.memref_slice %arg7[%add3A, %dma_wait3A, %dma_wait3A_21, %dma_wait3A_22] : memref<32x13x128x16xf32, #tpu.memory_space<hbm>> -> memref<1x13x128x16xf32, #tpu.memory_space<hbm>>
      %dma_wait3A_24 = tpu.memref_squeeze %dma_wait3A_23 : memref<1x13x128x16xf32, #tpu.memory_space<hbm>> -> memref<13x128x16xf32, #tpu.memory_space<hbm>>
      %dma_wait3A_25 = arith.constant 0 : i32
      %dma_wait3A_26 = arith.constant 0 : i32
      %dma_wait3A_27 = arith.constant 0 : i32
      %dma_wait3A_28 = tpu.memref_slice %arg7[%add3A, %dma_wait3A_25, %dma_wait3A_26, %dma_wait3A_27] : memref<32x13x128x16xf32, #tpu.memory_space<hbm>> -> memref<1x13x128x16xf32, #tpu.memory_space<hbm>>
      %dma_wait3A_29 = tpu.memref_squeeze %dma_wait3A_28 : memref<1x13x128x16xf32, #tpu.memory_space<hbm>> -> memref<13x128x16xf32, #tpu.memory_space<hbm>>
      tpu.wait_dma2 semaphore(%run_scoped3A : memref<!tpu.dma_semaphore, #tpu.memory_space<semaphore_mem>>) src(%arg11 : memref<13x128x16xf32, #tpu.memory_space<vmem>>) dst(%dma_wait3A_29 : memref<13x128x16xf32, #tpu.memory_space<hbm>>)
      tpu.yield
    }) : () -> ()
    return
  }
}

module attributes {stable_mosaic.version = 14 : i64} {
  func.func @_towers_body(%arg0: i32, %arg1: memref<256x416xf32, #tpu.memory_space<vmem>>, %arg2: memref<256x416xf32, #tpu.memory_space<vmem>>, %arg3: memref<416x64xf32, #tpu.memory_space<vmem>>, %arg4: memref<1x64xf32, #tpu.memory_space<vmem>>, %arg5: memref<64x32xf32, #tpu.memory_space<vmem>>, %arg6: memref<1x32xf32, #tpu.memory_space<vmem>>, %arg7: memref<416x64xf32, #tpu.memory_space<vmem>>, %arg8: memref<1x64xf32, #tpu.memory_space<vmem>>, %arg9: memref<64x32xf32, #tpu.memory_space<vmem>>, %arg10: memref<1x32xf32, #tpu.memory_space<vmem>>, %arg11: memref<256x32xf32, #tpu.memory_space<vmem>>, %arg12: memref<256x32xf32, #tpu.memory_space<vmem>>) attributes {dimension_semantics = [#tpu.dimension_semantics<arbitrary>], iteration_bounds = array<i64: 16>, scalar_prefetch = 0 : i64, scratch_operands = 0 : i64, tpu.core_type = #tpu.core_type<tc>, window_params = [{transform_indices = @transform_0, window_bounds = array<i64: 256, 416>}, {transform_indices = @transform_1, window_bounds = array<i64: 256, 416>}, {pipeline_mode = #tpu.pipeline_mode<synchronous>, transform_indices = @transform_2, window_bounds = array<i64: 416, 64>}, {pipeline_mode = #tpu.pipeline_mode<synchronous>, transform_indices = @transform_3, window_bounds = array<i64: 1, 64>}, {pipeline_mode = #tpu.pipeline_mode<synchronous>, transform_indices = @transform_4, window_bounds = array<i64: 64, 32>}, {pipeline_mode = #tpu.pipeline_mode<synchronous>, transform_indices = @transform_5, window_bounds = array<i64: 1, 32>}, {pipeline_mode = #tpu.pipeline_mode<synchronous>, transform_indices = @transform_6, window_bounds = array<i64: 416, 64>}, {pipeline_mode = #tpu.pipeline_mode<synchronous>, transform_indices = @transform_7, window_bounds = array<i64: 1, 64>}, {pipeline_mode = #tpu.pipeline_mode<synchronous>, transform_indices = @transform_8, window_bounds = array<i64: 64, 32>}, {pipeline_mode = #tpu.pipeline_mode<synchronous>, transform_indices = @transform_9, window_bounds = array<i64: 1, 32>}, {transform_indices = @transform_10, window_bounds = array<i64: 256, 32>}, {transform_indices = @transform_11, window_bounds = array<i64: 256, 32>}]} {
    %get3A = arith.constant 0 : index
    %get3A_0 = arith.constant 0 : index
    %get3A_1 = vector.load %arg1[%get3A, %get3A_0] : memref<256x416xf32, #tpu.memory_space<vmem>>, vector<256x416xf32>
    %get3A_2 = arith.constant 0 : index
    %get3A_3 = arith.constant 0 : index
    %get3A_4 = vector.load %arg3[%get3A_2, %get3A_3] : memref<416x64xf32, #tpu.memory_space<vmem>>, vector<416x64xf32>
    %dot_general3A = arith.constant dense<0.000000e+00> : vector<256x64xf32>
    %dot_general3A_5 = tpu.matmul %get3A_1, %get3A_4, %dot_general3A {dimension_numbers = #tpu.dot_dimension_numbers<[1], [0], [0], [1], [0, 0, 1, 1], [], []>, transpose_lhs_hint = false} : vector<256x416xf32>, vector<416x64xf32>, vector<256x64xf32> -> vector<256x64xf32>
    %get3A_6 = arith.constant 0 : index
    %get3A_7 = arith.constant 0 : index
    %get3A_8 = vector.load %arg4[%get3A_6, %get3A_7] : memref<1x64xf32, #tpu.memory_space<vmem>>, vector<1x64xf32>
    %add3A = vector.broadcast %get3A_8 : vector<1x64xf32> to vector<256x64xf32>
    %add3A_9 = arith.addf %dot_general3A_5, %add3A : vector<256x64xf32>
    %max3A = arith.constant 0.000000e+00 : f32
    %max3A_10 = vector.broadcast %max3A : f32 to vector<256x64xf32>
    %max3A_11 = arith.maximumf %add3A_9, %max3A_10 : vector<256x64xf32>
    %get3A_12 = arith.constant 0 : index
    %get3A_13 = arith.constant 0 : index
    %get3A_14 = vector.load %arg5[%get3A_12, %get3A_13] : memref<64x32xf32, #tpu.memory_space<vmem>>, vector<64x32xf32>
    %dot_general3A_15 = arith.constant dense<0.000000e+00> : vector<256x32xf32>
    %dot_general3A_16 = tpu.matmul %max3A_11, %get3A_14, %dot_general3A_15 {dimension_numbers = #tpu.dot_dimension_numbers<[1], [0], [0], [1], [0, 0, 1, 1], [], []>, transpose_lhs_hint = false} : vector<256x64xf32>, vector<64x32xf32>, vector<256x32xf32> -> vector<256x32xf32>
    %get3A_17 = arith.constant 0 : index
    %get3A_18 = arith.constant 0 : index
    %get3A_19 = vector.load %arg6[%get3A_17, %get3A_18] : memref<1x32xf32, #tpu.memory_space<vmem>>, vector<1x32xf32>
    %add3A_20 = vector.broadcast %get3A_19 : vector<1x32xf32> to vector<256x32xf32>
    %add3A_21 = arith.addf %dot_general3A_16, %add3A_20 : vector<256x32xf32>
    %max3A_22 = arith.constant 0.000000e+00 : f32
    %max3A_23 = vector.broadcast %max3A_22 : f32 to vector<256x32xf32>
    %max3A_24 = arith.maximumf %add3A_21, %max3A_23 : vector<256x32xf32>
    %swap3A = arith.constant 0 : index
    %swap3A_25 = arith.constant 0 : index
    %swap3A_26 = vector.load %arg11[%swap3A, %swap3A_25] : memref<256x32xf32, #tpu.memory_space<vmem>>, vector<256x32xf32>
    tpu.vector_store %arg11[%swap3A, %swap3A_25], %max3A_24 {strides = array<i32>} : memref<256x32xf32, #tpu.memory_space<vmem>>, vector<256x32xf32>,
    %get3A_27 = arith.constant 0 : index
    %get3A_28 = arith.constant 0 : index
    %get3A_29 = vector.load %arg2[%get3A_27, %get3A_28] : memref<256x416xf32, #tpu.memory_space<vmem>>, vector<256x416xf32>
    %get3A_30 = arith.constant 0 : index
    %get3A_31 = arith.constant 0 : index
    %get3A_32 = vector.load %arg7[%get3A_30, %get3A_31] : memref<416x64xf32, #tpu.memory_space<vmem>>, vector<416x64xf32>
    %dot_general3A_33 = arith.constant dense<0.000000e+00> : vector<256x64xf32>
    %dot_general3A_34 = tpu.matmul %get3A_29, %get3A_32, %dot_general3A_33 {dimension_numbers = #tpu.dot_dimension_numbers<[1], [0], [0], [1], [0, 0, 1, 1], [], []>, transpose_lhs_hint = false} : vector<256x416xf32>, vector<416x64xf32>, vector<256x64xf32> -> vector<256x64xf32>
    %get3A_35 = arith.constant 0 : index
    %get3A_36 = arith.constant 0 : index
    %get3A_37 = vector.load %arg8[%get3A_35, %get3A_36] : memref<1x64xf32, #tpu.memory_space<vmem>>, vector<1x64xf32>
    %add3A_38 = vector.broadcast %get3A_37 : vector<1x64xf32> to vector<256x64xf32>
    %add3A_39 = arith.addf %dot_general3A_34, %add3A_38 : vector<256x64xf32>
    %max3A_40 = arith.constant 0.000000e+00 : f32
    %max3A_41 = vector.broadcast %max3A_40 : f32 to vector<256x64xf32>
    %max3A_42 = arith.maximumf %add3A_39, %max3A_41 : vector<256x64xf32>
    %get3A_43 = arith.constant 0 : index
    %get3A_44 = arith.constant 0 : index
    %get3A_45 = vector.load %arg9[%get3A_43, %get3A_44] : memref<64x32xf32, #tpu.memory_space<vmem>>, vector<64x32xf32>
    %dot_general3A_46 = arith.constant dense<0.000000e+00> : vector<256x32xf32>
    %dot_general3A_47 = tpu.matmul %max3A_42, %get3A_45, %dot_general3A_46 {dimension_numbers = #tpu.dot_dimension_numbers<[1], [0], [0], [1], [0, 0, 1, 1], [], []>, transpose_lhs_hint = false} : vector<256x64xf32>, vector<64x32xf32>, vector<256x32xf32> -> vector<256x32xf32>
    %get3A_48 = arith.constant 0 : index
    %get3A_49 = arith.constant 0 : index
    %get3A_50 = vector.load %arg10[%get3A_48, %get3A_49] : memref<1x32xf32, #tpu.memory_space<vmem>>, vector<1x32xf32>
    %add3A_51 = vector.broadcast %get3A_50 : vector<1x32xf32> to vector<256x32xf32>
    %add3A_52 = arith.addf %dot_general3A_47, %add3A_51 : vector<256x32xf32>
    %max3A_53 = arith.constant 0.000000e+00 : f32
    %max3A_54 = vector.broadcast %max3A_53 : f32 to vector<256x32xf32>
    %max3A_55 = arith.maximumf %add3A_52, %max3A_54 : vector<256x32xf32>
    %swap3A_56 = arith.constant 0 : index
    %swap3A_57 = arith.constant 0 : index
    %swap3A_58 = vector.load %arg12[%swap3A_56, %swap3A_57] : memref<256x32xf32, #tpu.memory_space<vmem>>, vector<256x32xf32>
    tpu.vector_store %arg12[%swap3A_56, %swap3A_57], %max3A_55 {strides = array<i32>} : memref<256x32xf32, #tpu.memory_space<vmem>>, vector<256x32xf32>,
    return
  }
  func.func @transform_0(%arg0: i32) -> (i32, i32) {
    %c0_i32 = arith.constant 0 : i32
    %c0_i32_0 = arith.constant 0 : i32
    return %arg0, %c0_i32 : i32, i32
  }
  func.func @transform_1(%arg0: i32) -> (i32, i32) {
    %c0_i32 = arith.constant 0 : i32
    %c0_i32_0 = arith.constant 0 : i32
    return %arg0, %c0_i32 : i32, i32
  }
  func.func @transform_2(%arg0: i32) -> (i32, i32) {
    %c0_i32 = arith.constant 0 : i32
    %c0_i32_0 = arith.constant 0 : i32
    %c0_i32_1 = arith.constant 0 : i32
    return %c0_i32, %c0_i32_0 : i32, i32
  }
  func.func @transform_3(%arg0: i32) -> (i32, i32) {
    %c0_i32 = arith.constant 0 : i32
    %c0_i32_0 = arith.constant 0 : i32
    %c0_i32_1 = arith.constant 0 : i32
    return %c0_i32, %c0_i32_0 : i32, i32
  }
  func.func @transform_4(%arg0: i32) -> (i32, i32) {
    %c0_i32 = arith.constant 0 : i32
    %c0_i32_0 = arith.constant 0 : i32
    %c0_i32_1 = arith.constant 0 : i32
    return %c0_i32, %c0_i32_0 : i32, i32
  }
  func.func @transform_5(%arg0: i32) -> (i32, i32) {
    %c0_i32 = arith.constant 0 : i32
    %c0_i32_0 = arith.constant 0 : i32
    %c0_i32_1 = arith.constant 0 : i32
    return %c0_i32, %c0_i32_0 : i32, i32
  }
  func.func @transform_6(%arg0: i32) -> (i32, i32) {
    %c0_i32 = arith.constant 0 : i32
    %c0_i32_0 = arith.constant 0 : i32
    %c0_i32_1 = arith.constant 0 : i32
    return %c0_i32, %c0_i32_0 : i32, i32
  }
  func.func @transform_7(%arg0: i32) -> (i32, i32) {
    %c0_i32 = arith.constant 0 : i32
    %c0_i32_0 = arith.constant 0 : i32
    %c0_i32_1 = arith.constant 0 : i32
    return %c0_i32, %c0_i32_0 : i32, i32
  }
  func.func @transform_8(%arg0: i32) -> (i32, i32) {
    %c0_i32 = arith.constant 0 : i32
    %c0_i32_0 = arith.constant 0 : i32
    %c0_i32_1 = arith.constant 0 : i32
    return %c0_i32, %c0_i32_0 : i32, i32
  }
  func.func @transform_9(%arg0: i32) -> (i32, i32) {
    %c0_i32 = arith.constant 0 : i32
    %c0_i32_0 = arith.constant 0 : i32
    %c0_i32_1 = arith.constant 0 : i32
    return %c0_i32, %c0_i32_0 : i32, i32
  }
  func.func @transform_10(%arg0: i32) -> (i32, i32) {
    %c0_i32 = arith.constant 0 : i32
    %c0_i32_0 = arith.constant 0 : i32
    return %arg0, %c0_i32 : i32, i32
  }
  func.func @transform_11(%arg0: i32) -> (i32, i32) {
    %c0_i32 = arith.constant 0 : i32
    %c0_i32_0 = arith.constant 0 : i32
    return %arg0, %c0_i32 : i32, i32
  }
}

module attributes {stable_mosaic.version = 14 : i64} {
  func.func @_loss_body(%arg0: i32, %arg1: memref<256x32xf32, #tpu.memory_space<vmem>>, %arg2: memref<4096x32xf32, #tpu.memory_space<vmem>>, %arg3: memref<256x1xi32, #tpu.memory_space<vmem>>, %arg4: memref<8x128xi32, #tpu.memory_space<vmem>>, %arg5: memref<256x1xf32, #tpu.memory_space<vmem>>) attributes {dimension_semantics = [#tpu.dimension_semantics<arbitrary>], iteration_bounds = array<i64: 16>, scalar_prefetch = 0 : i64, scratch_operands = 0 : i64, tpu.core_type = #tpu.core_type<tc>, window_params = [{transform_indices = @transform_0, window_bounds = array<i64: 256, 32>}, {pipeline_mode = #tpu.pipeline_mode<synchronous>, transform_indices = @transform_1, window_bounds = array<i64: 4096, 32>}, {transform_indices = @transform_2, window_bounds = array<i64: 256, 1>}, {pipeline_mode = #tpu.pipeline_mode<synchronous>, transform_indices = @transform_3, window_bounds = array<i64: 8, 128>}, {transform_indices = @transform_4, window_bounds = array<i64: 256, 1>}]} {
    %get3A = arith.constant 0 : index
    %get3A_0 = arith.constant 0 : index
    %get3A_1 = vector.load %arg1[%get3A, %get3A_0] : memref<256x32xf32, #tpu.memory_space<vmem>>, vector<256x32xf32>
    %get3A_2 = arith.constant 0 : index
    %get3A_3 = arith.constant 0 : index
    %get3A_4 = vector.load %arg2[%get3A_2, %get3A_3] : memref<4096x32xf32, #tpu.memory_space<vmem>>, vector<4096x32xf32>
    %get3A_5 = arith.constant 0 : index
    %get3A_6 = arith.constant 0 : index
    %get3A_7 = vector.load %arg3[%get3A_5, %get3A_6] : memref<256x1xi32, #tpu.memory_space<vmem>>, vector<256x1xi32>
    %iota3A = tpu.iota {dimensions = array<i32: 1>} : vector<256x4096xi32>
    %eq3A = vector.broadcast %get3A_7 : vector<256x1xi32> to vector<256x4096xi32>
    %eq3A_8 = arith.cmpi eq, %iota3A, %eq3A : vector<256x4096xi32>
    %convert_element_type3A = arith.extui %eq3A_8 : vector<256x4096xi1> to vector<256x4096xi32>
    %convert_element_type3A_9 = arith.sitofp %convert_element_type3A : vector<256x4096xi32> to vector<256x4096xf32>
    %dot_general3A = arith.constant dense<0.000000e+00> : vector<256x32xf32>
    %dot_general3A_10 = tpu.matmul %convert_element_type3A_9, %get3A_4, %dot_general3A {dimension_numbers = #tpu.dot_dimension_numbers<[1], [0], [0], [1], [0, 0, 1, 1], [], []>, transpose_lhs_hint = false} : vector<256x4096xf32>, vector<4096x32xf32>, vector<256x32xf32> -> vector<256x32xf32>
    %mul3A = arith.mulf %get3A_1, %dot_general3A_10 : vector<256x32xf32>
    %reduce_sum3A = arith.constant dense<0.000000e+00> : vector<256xf32>
    %reduce_sum3A_11 = vector.multi_reduction <add>, %mul3A, %reduce_sum3A [1] : vector<256x32xf32> to vector<256xf32>
    %broadcast_in_dim3A = vector.shape_cast %reduce_sum3A_11 : vector<256xf32> to vector<256x1xf32>
    %get3A_12 = arith.constant 0 : index
    %get3A_13 = arith.constant 0 : index
    %get3A_14 = vector.load %arg4[%get3A_12, %get3A_13] : memref<8x128xi32, #tpu.memory_space<vmem>>, vector<8x128xi32>
    %slice3A = vector.extract_strided_slice %get3A_14 {offsets = [0, 0], sizes = [8, 1], strides = [1, 1]} : vector<8x128xi32> to vector<8x1xi32>
    %iota3A_15 = tpu.iota {dimensions = array<i32: 1>} : vector<8x4096xi32>
    %eq3A_16 = vector.broadcast %slice3A : vector<8x1xi32> to vector<8x4096xi32>
    %eq3A_17 = arith.cmpi eq, %iota3A_15, %eq3A_16 : vector<8x4096xi32>
    %convert_element_type3A_18 = arith.extui %eq3A_17 : vector<8x4096xi1> to vector<8x4096xi32>
    %convert_element_type3A_19 = arith.sitofp %convert_element_type3A_18 : vector<8x4096xi32> to vector<8x4096xf32>
    %dot_general3A_20 = arith.constant dense<0.000000e+00> : vector<8x32xf32>
    %dot_general3A_21 = tpu.matmul %convert_element_type3A_19, %get3A_4, %dot_general3A_20 {dimension_numbers = #tpu.dot_dimension_numbers<[1], [0], [0], [1], [0, 0, 1, 1], [], []>, transpose_lhs_hint = false} : vector<8x4096xf32>, vector<4096x32xf32>, vector<8x32xf32> -> vector<8x32xf32>
    %slice3A_22 = vector.extract_strided_slice %dot_general3A_21 {offsets = [0, 0], sizes = [1, 32], strides = [1, 1]} : vector<8x32xf32> to vector<1x32xf32>
    %mul3A_23 = vector.broadcast %slice3A_22 : vector<1x32xf32> to vector<256x32xf32>
    %mul3A_24 = arith.mulf %get3A_1, %mul3A_23 : vector<256x32xf32>
    %reduce_sum3A_25 = arith.constant dense<0.000000e+00> : vector<256xf32>
    %reduce_sum3A_26 = vector.multi_reduction <add>, %mul3A_24, %reduce_sum3A_25 [1] : vector<256x32xf32> to vector<256xf32>
    %broadcast_in_dim3A_27 = vector.shape_cast %reduce_sum3A_26 : vector<256xf32> to vector<256x1xf32>
    %max3A = arith.maximumf %broadcast_in_dim3A, %broadcast_in_dim3A_27 : vector<256x1xf32>
    %slice3A_28 = vector.extract_strided_slice %dot_general3A_21 {offsets = [1, 0], sizes = [1, 32], strides = [1, 1]} : vector<8x32xf32> to vector<1x32xf32>
    %mul3A_29 = vector.broadcast %slice3A_28 : vector<1x32xf32> to vector<256x32xf32>
    %mul3A_30 = arith.mulf %get3A_1, %mul3A_29 : vector<256x32xf32>
    %reduce_sum3A_31 = arith.constant dense<0.000000e+00> : vector<256xf32>
    %reduce_sum3A_32 = vector.multi_reduction <add>, %mul3A_30, %reduce_sum3A_31 [1] : vector<256x32xf32> to vector<256xf32>
    %broadcast_in_dim3A_33 = vector.shape_cast %reduce_sum3A_32 : vector<256xf32> to vector<256x1xf32>
    %max3A_34 = arith.maximumf %max3A, %broadcast_in_dim3A_33 : vector<256x1xf32>
    %slice3A_35 = vector.extract_strided_slice %dot_general3A_21 {offsets = [2, 0], sizes = [1, 32], strides = [1, 1]} : vector<8x32xf32> to vector<1x32xf32>
    %mul3A_36 = vector.broadcast %slice3A_35 : vector<1x32xf32> to vector<256x32xf32>
    %mul3A_37 = arith.mulf %get3A_1, %mul3A_36 : vector<256x32xf32>
    %reduce_sum3A_38 = arith.constant dense<0.000000e+00> : vector<256xf32>
    %reduce_sum3A_39 = vector.multi_reduction <add>, %mul3A_37, %reduce_sum3A_38 [1] : vector<256x32xf32> to vector<256xf32>
    %broadcast_in_dim3A_40 = vector.shape_cast %reduce_sum3A_39 : vector<256xf32> to vector<256x1xf32>
    %max3A_41 = arith.maximumf %max3A_34, %broadcast_in_dim3A_40 : vector<256x1xf32>
    %slice3A_42 = vector.extract_strided_slice %dot_general3A_21 {offsets = [3, 0], sizes = [1, 32], strides = [1, 1]} : vector<8x32xf32> to vector<1x32xf32>
    %mul3A_43 = vector.broadcast %slice3A_42 : vector<1x32xf32> to vector<256x32xf32>
    %mul3A_44 = arith.mulf %get3A_1, %mul3A_43 : vector<256x32xf32>
    %reduce_sum3A_45 = arith.constant dense<0.000000e+00> : vector<256xf32>
    %reduce_sum3A_46 = vector.multi_reduction <add>, %mul3A_44, %reduce_sum3A_45 [1] : vector<256x32xf32> to vector<256xf32>
    %broadcast_in_dim3A_47 = vector.shape_cast %reduce_sum3A_46 : vector<256xf32> to vector<256x1xf32>
    %max3A_48 = arith.maximumf %max3A_41, %broadcast_in_dim3A_47 : vector<256x1xf32>
    %slice3A_49 = vector.extract_strided_slice %dot_general3A_21 {offsets = [4, 0], sizes = [1, 32], strides = [1, 1]} : vector<8x32xf32> to vector<1x32xf32>
    %mul3A_50 = vector.broadcast %slice3A_49 : vector<1x32xf32> to vector<256x32xf32>
    %mul3A_51 = arith.mulf %get3A_1, %mul3A_50 : vector<256x32xf32>
    %reduce_sum3A_52 = arith.constant dense<0.000000e+00> : vector<256xf32>
    %reduce_sum3A_53 = vector.multi_reduction <add>, %mul3A_51, %reduce_sum3A_52 [1] : vector<256x32xf32> to vector<256xf32>
    %broadcast_in_dim3A_54 = vector.shape_cast %reduce_sum3A_53 : vector<256xf32> to vector<256x1xf32>
    %max3A_55 = arith.maximumf %max3A_48, %broadcast_in_dim3A_54 : vector<256x1xf32>
    %sub3A = arith.subf %broadcast_in_dim3A, %max3A_55 : vector<256x1xf32>
    %exp3A = math.exp %sub3A : vector<256x1xf32>
    %sub3A_56 = arith.subf %broadcast_in_dim3A_27, %max3A_55 : vector<256x1xf32>
    %exp3A_57 = math.exp %sub3A_56 : vector<256x1xf32>
    %add3A = arith.addf %exp3A, %exp3A_57 : vector<256x1xf32>
    %sub3A_58 = arith.subf %broadcast_in_dim3A_33, %max3A_55 : vector<256x1xf32>
    %exp3A_59 = math.exp %sub3A_58 : vector<256x1xf32>
    %add3A_60 = arith.addf %add3A, %exp3A_59 : vector<256x1xf32>
    %sub3A_61 = arith.subf %broadcast_in_dim3A_40, %max3A_55 : vector<256x1xf32>
    %exp3A_62 = math.exp %sub3A_61 : vector<256x1xf32>
    %add3A_63 = arith.addf %add3A_60, %exp3A_62 : vector<256x1xf32>
    %sub3A_64 = arith.subf %broadcast_in_dim3A_47, %max3A_55 : vector<256x1xf32>
    %exp3A_65 = math.exp %sub3A_64 : vector<256x1xf32>
    %add3A_66 = arith.addf %add3A_63, %exp3A_65 : vector<256x1xf32>
    %sub3A_67 = arith.subf %broadcast_in_dim3A_54, %max3A_55 : vector<256x1xf32>
    %exp3A_68 = math.exp %sub3A_67 : vector<256x1xf32>
    %add3A_69 = arith.addf %add3A_66, %exp3A_68 : vector<256x1xf32>
    %log3A = math.log %add3A_69 : vector<256x1xf32>
    %add3A_70 = arith.addf %log3A, %max3A_55 : vector<256x1xf32>
    %sub3A_71 = arith.subf %add3A_70, %broadcast_in_dim3A : vector<256x1xf32>
    %swap3A = arith.constant 0 : index
    %swap3A_72 = arith.constant 0 : index
    %swap3A_73 = vector.load %arg5[%swap3A, %swap3A_72] : memref<256x1xf32, #tpu.memory_space<vmem>>, vector<256x1xf32>
    tpu.vector_store %arg5[%swap3A, %swap3A_72], %sub3A_71 {strides = array<i32>} : memref<256x1xf32, #tpu.memory_space<vmem>>, vector<256x1xf32>,
    return
  }
  func.func @transform_0(%arg0: i32) -> (i32, i32) {
    %c0_i32 = arith.constant 0 : i32
    %c0_i32_0 = arith.constant 0 : i32
    return %arg0, %c0_i32 : i32, i32
  }
  func.func @transform_1(%arg0: i32) -> (i32, i32) {
    %c0_i32 = arith.constant 0 : i32
    %c0_i32_0 = arith.constant 0 : i32
    %c0_i32_1 = arith.constant 0 : i32
    return %c0_i32, %c0_i32_0 : i32, i32
  }
  func.func @transform_2(%arg0: i32) -> (i32, i32) {
    %c0_i32 = arith.constant 0 : i32
    %c0_i32_0 = arith.constant 0 : i32
    return %arg0, %c0_i32 : i32, i32
  }
  func.func @transform_3(%arg0: i32) -> (i32, i32) {
    %c0_i32 = arith.constant 0 : i32
    %c0_i32_0 = arith.constant 0 : i32
    %c0_i32_1 = arith.constant 0 : i32
    return %c0_i32, %c0_i32_0 : i32, i32
  }
  func.func @transform_4(%arg0: i32) -> (i32, i32) {
    %c0_i32 = arith.constant 0 : i32
    %c0_i32_0 = arith.constant 0 : i32
    return %arg0, %c0_i32 : i32, i32
  }
}

</mosaic_0001>

<sc_bundles>
// kernel: gather_offload_async_start.1
scs
__scs_entry_jumppad:
0x0: {  	(pc) =	sbr.rel $0x88, $3  }
0x1: {  	(tag) =	ssettag $0x0;
	lr =	simm.s32 $0x1  }
0x2: {  	[smem:$0x3F94] =	sst lr;
	_ =	strace $0xD0000000  }
0x3: {  	_ = 	snop  }
0x4: {  	_ = 	snop  }
0x5: {  	_ = 	snop  }
0x6: {  	_ = 	snop  }
0x7: {  	_ = 	snop  }
__scs_overlays_trampoline_lowered:
0x8: {  	[smem:$0x3FA3] =	sst s0  }
0x9: {  	[smem:$0x3FA4] =	sst s1  }
0xa: {  	[smem:$0x3FA5] =	sst s2  }
0xb: {  	[smem:$0x3FA6] =	sst s3  }
0xc: {  	[smem:$0x3FA7] =	sst s4  }
0xd: {  	[smem:$0x3FA8] =	sst s5  }
0xe: {  	[smem:$0x3FA9] =	sst s6  }
0xf: {  	[smem:$0x3FAA] =	sst s7  }
0x10: {  	[smem:$0x3FAB] =	sst s8  }
0x11: {  	[smem:$0x3FAC] =	sst s9;
	s0 =	simm.s32 @!p0 $0x0  }
0x12: {  	s1 =	sld [smem:$0x3F92];
	s0 =	simm.s32 @p0 $0x1  }
0x13: {  	[smem:$0x3FAD] =	sst s0;
	s0 =	simm.s32 @!p1 $0x0  }
0x14: {  	s2 =	sld [smem:$0x3F91];
	s0 =	simm.s32 @p1 $0x1  }
0x15: {  	[smem:$0x3FAE] =	sst s0;
	s0 =	simm.s32 @!p2 $0x0  }
0x16: {  	s3 =	sld [smem:$0x3FDB];
	s0 =	simm.s32 @p2 $0x1  }
0x17: {  	s4 =	simm.s32 $0x1BF5;
	[smem:$0x3FB0] =	sst s0  }
0x18: {  	s0 =	sld [smem:$0x3F93];
	_ =	swait.ge [sflag:s4], $0x0  }
0x19: {  	s7 =	sld [smem:$0x3F94]  }
0x1a: {  	s8 =	sadd.s32 $0xFFFFE003, lr  }
0x1b: {  	s9 =	sadd.s32 $0xFFFFFEF7, lr;
	s5 =	simm.s32 $0xFFFFFFFF;
	p2 =	slt.u32 s8, $0xFFFFF086  }
0x1c: {  	p1 =	slt.u32 s9, $0xF7A;
	s5 =	simm.s32 @!p2 $0x0  }
0x1d: {  	s5 =	simm.s32 @p1 $0x1;
	p0 =	seq.s32 s7, s2  }
0x1e: {  	s7 =	smul.u32 @!p0 $0xF7A, s2;
	p2 =	seq.s32 @!p0 s5, $0x0  }
0x1f: {  	s9 =	smul.u32 $0xF7A, s1;
	s8 =	simm.s32 @!p0 $0x1BF5;
	p2 =	por !p2, p0  }
0x20: {  	[sflag:s8] =	ssyncset.s32 @!p0 $0xFFFFF086;
	s6 =	sadd.s32 @!p0 s3, s7;
	s7 =	simm.s32 @!p0 $0x108  }
0x21: {  	s3 =	sadd.s32 s3, s9;
	s6 =	sadd.s32 @!p0 $0x88, s6;
	s7 =	simm.s32 @p2 $0x1082  }
0x22: {  	[simem:s7], [sflag:s8] =	dma.local @!p0 [hbm:s6], $0xF7A  }
0x23: {  	s9 =	sor.u32 $0xD0000000, s2;
	s6 =	simm.s32 $0x108;
	_ =	swait.ge @!p0 [sflag:s8], $0x0  }
0x24: {  	s3 =	sadd.s32 $0x88, s3;
	s6 =	simm.s32 @!p1 $0x1082;
	[sflag:s4] =	ssyncset.s32 $0xFFFFF086  }
0x25: {  	[simem:s6], [sflag:s4] =	dma.local [hbm:s3], $0xF7A  }
0x26: {  	[smem:$0x3F94] =	sst s1;
	(tag) =	ssettag s2;
	_ =	strace s9  }
0x27: {  	s1 =	sld [smem:$0x3FA4]  }
0x28: {  	s2 =	sld [smem:$0x3FA5]  }
0x29: {  	s4 =	sld [smem:$0x3FA7]  }
0x2a: {  	p0 =	seq.s32 s5, $0x0;
	s5 =	sld [smem:$0x3FA8]  }
0x2b: {  	s6 =	sld [smem:$0x3FA9]  }
0x2c: {  	s7 =	sld [smem:$0x3FAA]  }
0x2d: {  	s3 =	simm.s32 $0x108;
	s8 =	sld [smem:$0x3FAB]  }
0x2e: {  	s3 =	simm.s32 @!p0 $0x1082;
	s9 =	sld [smem:$0x3FAC]  }
0x2f: {  	lr =	sadd.s32 s0, s3;
	s0 =	sld [smem:$0x3FA3]  }
0x30: {  	s3 =	sld [smem:$0x3FA6]  }
0x31: {  	[smem:$0x3FAF] =	sst s10  }
0x32: {  	s10 =	sld [smem:$0x3FAD];
	_ =	sdelay $0x3  }
0x33: {  	p0 =	seq.s32 s10, $0x1;
	s10 =	sld [smem:$0x3FAF];
	_ =	sdelay $0x3  }
0x34: {  	[smem:$0x3FAF] =	sst s10  }
0x35: {  	s10 =	sld [smem:$0x3FAE];
	_ =	sdelay $0x3  }
0x36: {  	p1 =	seq.s32 s10, $0x1;
	s10 =	sld [smem:$0x3FAF];
	_ =	sdelay $0x3  }
0x37: {  	[smem:$0x3FAF] =	sst s10  }
0x38: {  	s10 =	sld [smem:$0x3FB0]  }
0x39: {  	_ = 	snop;
	(pc) =	sbr.ind lr, $3  }
0x3a: {  	_ = 	snop  }
0x3b: {  	_ = 	snop  }
0x3c: {  	p2 =	seq.s32 s10, $0x1;
	s10 =	sld [smem:$0x3FAF]  }
0x3d: {  	_ =	shalt  }
0x3e: {  	_ =	shalt  }
0x3f: {  	_ =	shalt  }
0x40: {  	_ =	shalt  }
0x41: {  	_ =	shalt  }
0x42: {  	_ =	shalt  }
0x43: {  	_ =	shalt  }
0x44: {  	_ =	shalt  }
0x45: {  	_ =	shalt  }
0x46: {  	_ =	shalt  }
0x47: {  	_ =	shalt  }
0x48: {  	_ =	shalt  }
0x49: {  	_ =	shalt  }
0x4a: {  	_ =	shalt  }
0x4b: {  	_ =	shalt  }
0x4c: {  	_ =	shalt  }
0x4d: {  	_ =	shalt  }
0x4e: {  	_ =	shalt  }
0x4f: {  	_ =	shalt  }
0x50: {  	_ =	shalt  }
0x51: {  	_ =	shalt  }
0x52: {  	_ =	shalt  }
0x53: {  	_ =	shalt  }
0x54: {  	_ =	shalt  }
0x55: {  	_ =	shalt  }
0x56: {  	_ =	shalt  }
0x57: {  	_ =	shalt  }
0x58: {  	_ =	shalt  }
0x59: {  	_ =	shalt  }
0x5a: {  	_ =	shalt  }
0x5b: {  	_ =	shalt  }
0x5c: {  	_ =	shalt  }
0x5d: {  	_ =	shalt  }
0x5e: {  	_ =	shalt  }
0x5f: {  	_ =	shalt  }
0x60: {  	_ =	shalt  }
0x61: {  	_ =	shalt  }
0x62: {  	_ =	shalt  }
0x63: {  	_ =	shalt  }
0x64: {  	_ =	shalt  }
0x65: {  	_ =	shalt  }
0x66: {  	_ =	shalt  }
0x67: {  	_ =	shalt  }
0x68: {  	_ =	shalt  }
0x69: {  	_ =	shalt  }
0x6a: {  	_ =	shalt  }
0x6b: {  	_ =	shalt  }
0x6c: {  	_ =	shalt  }
0x6d: {  	_ =	shalt  }
0x6e: {  	_ =	shalt  }
0x6f: {  	_ =	shalt  }
0x70: {  	_ =	shalt  }
0x71: {  	_ =	shalt  }
0x72: {  	_ =	shalt  }
0x73: {  	_ =	shalt  }
0x74: {  	_ =	shalt  }
0x75: {  	_ =	shalt  }
0x76: {  	_ =	shalt  }
0x77: {  	_ =	shalt  }
0x78: {  	_ =	shalt  }
0x79: {  	_ =	shalt  }
0x7a: {  	_ =	shalt  }
0x7b: {  	_ =	shalt  }
0x7c: {  	_ =	shalt  }
0x7d: {  	_ =	shalt  }
0x7e: {  	_ =	shalt  }
0x7f: {  	_ =	shalt  }
0x80: {  	_ =	shalt  }
0x81: {  	_ =	shalt  }
0x82: {  	_ =	shalt  }
0x83: {  	_ =	shalt  }
0x84: {  	_ =	shalt  }
0x85: {  	_ =	shalt  }
0x86: {  	_ =	shalt  }
0x87: {  	_ =	shalt  }
.Lfunc_end0:
.L_simem_size_0:
called_computation.1_lowered:
.L_overlay_start_0:
0x88: {  	s2 =	sld [smem:$0x3FD9]  }
0x89: {  	s3 =	sld [smem:$0x3FFE];
	_ =	sdelay $0x1  }
0x8a: {  	s1 =	srdreg.scid  }
0x8b: {  	s0 =	sand.u32 $0x1, s1  }
0x8c: {  	s17 =	sshll.u32 s0, $0xA;
	s2 =	sadd.s32 s3, s2  }
0x8d: {  	s2 =	sadd.s32 s2, s17  }
0x8e: {  	[smem:$0x3FBB] =	sst s2  }
0x8f: {  	_ = 	snop  }
0x90: {  	(tm) =	ssettm $0x1  }
0x91: {  	s18 =	sld [smem:$0x3FFB];
	_ =	sdelay $0x3  }
0x92: {  	_ =	strace s18  }
0x93: {  	s2 =	sld [smem:$0x3FFC];
	_ =	sdelay $0x3  }
0x94: {  	_ =	strace s2  }
0x95: {  	s2 =	sld [smem:$0x3FFD];
	_ =	sdelay $0x3  }
0x96: {  	_ =	strace s2  }
0x97: {  	_ =	strace $0x8FFFFFFF  }
0x98: {  	s19 =	sld [smem:$0x3FDB];
	_ =	sdelay $0x1  }
0x99: {  	s20 =	simm.s32 $_scs_section_size  }
0x9a: {  	s4 =	simm.s32 $_size__tile_overlayer_lowered;
	s5 =	simm.s32 $_tile_overlayer_lowered  }
0x9b: {  	s6 =	simm.s32 $0x1BFF;
	s21 =	sshll.u32 s5, $0x1;
	s3 =	sadd.s32 s20, s19  }
0x9c: {  	s22 =	simm.s32 $0x0;
	s4 =	sshll.u32 s4, $0x1;
	s5 =	sadd.s32 s21, s3  }
0x9d: {  	[timem:s22], [sflag:s6] =	dma.local [hbm:s5], s4  }
0x9e: {  	_ =	swait.ge [sflag:s6], s4  }
0x9f: {  	s4 =	ssub.s32 $0x0, s4;
	[sflag:s6] =	ssyncset.done $0x0  }
0xa0: {  	[sflag:s6] =	ssyncadd.s32 s4;
	_ =	sdelay $0x1  }
0xa1: {  	s23 =	simm.s32 $0x1B8B  }
0xa2: {  	_ =	swait.ge [sflag:s23], $0x1  }
0xa3: {  	[sflag:s23] =	ssyncset.done $0x0  }
0xa4: {  	[sflag:s23] =	ssyncadd.s32 $0xFFFFFFFF  }
0xa5: {  	s4 =	sld [smem:$0x0]  }
0xa6: {  	s5 =	sand.u32 $0xFFFFFFFE, s1  }
0xa7: {  	p0 =	sne.s32 s1, s5  }
0xa8: {  	s5 =	sshll.u32 @p0 s5, $0xE  }
0xa9: {  	s5 =	sadd.s32 @p0 $0x11B8D, s5;
	s6 =	sshll.u32 @p0 s4, $0x11  }
0xaa: {  	s5 =	sor.u32 @p0 s6, s5  }
0xab: {  	[sflag:s5] =	ssyncadd.remote.s32 @p0 $0x1;
	_ =	sdelay $0x1  }
0xac: {  	s5 =	simm.s32 @p0 $0x1B8D  }
0xad: {  	_ =	swait.eq @p0 [sflag:s5], $0x1  }
0xae: {  	[sflag:s5] =	ssyncadd.s32 @p0 $0xFFFFFFFF  }
0xaf: {  	s6 =	sshll.u32 @!p0 s1, $0xE  }
0xb0: {  	s6 =	sor.u32 @!p0 $0x4000, s6;
	s5 =	simm.s32 @!p0 $0x1B8D  }
0xb1: {  	s4 =	sshll.u32 @!p0 s4, $0x11;
	s6 =	sadd.s32 @!p0 $0x11B8D, s6;
	_ =	swait.eq @!p0 [sflag:s5], $0x1  }
0xb2: {  	s4 =	sor.u32 @!p0 s4, s6;
	[sflag:s5] =	ssyncadd.s32 @!p0 $0xFFFFFFFF  }
0xb3: {  	s25 =	simm.s32 $0x1B8E;
	s24 =	sld [smem:$0x3FFE];
	[sflag:s4] =	ssyncadd.remote.s32 @!p0 $0x1  }
0xb4: {  	s26 =	simm.s32 $execute0_lowered;
	[smem:$0x3FD2] =	sst s25  }
0xb5: {  	s5 =	sshll.u32 s26, $0x1;
	_ =	strace $0x80000049;
	[dreg:$0x1] =	wrdreg $0xFFFFFFFF  }
0xb6: {  	s28 =	simm.s32 $_size_execute0_lowered;
	s3 =	sadd.s32 s3, s5;
	[dreg:$0x0] =	wrdreg $0x0  }
0xb7: {  	s5 =	sshll.u32 s28, $0x1;
	[dreg:$0x2] =	wrdreg s3  }
0xb8: {  	[dreg:$0x3] =	wrdreg s5  }
0xb9: {  	[dreg:$0x4] =	wrdreg $0xC0  }
0xba: {  	_ =	task [dreg:s22], $0x5FFFF  }
0xbb: {  	[dreg:$0x1] =	wrdreg $0xFFFFFFFF  }
0xbc: {  	[dreg:$0x0] =	wrdreg $0x60  }
0xbd: {  	[dreg:$0x2] =	wrdreg s24  }
0xbe: {  	[dreg:$0x3] =	wrdreg $0xA  }
0xbf: {  	_ =	task.clear_ibuf [dreg:s22], $0x4FFFF;
	_ =	strace $0x90000049  }
0xc0: {  	s29 =	simm.s32 $0xA;
	_ =	strace $0x8000004B  }
0xc1: {  	_ =	swait.ge [sflag:s29], $0x1  }
0xc2: {  	[sflag:s29] =	ssyncadd.s32 $0xFFFFFFFF  }
0xc3: {  	_ =	strace $0x9000004B  }
0xc4: {  	_ =	sfence  }
0xc5: {  	s30 =	sld [smem:$0x0];
	_ =	sdelay $0x2  }
0xc6: {  	s31 =	sshll.u32 s1, $0xD;
	s1 =	sshrl.u32 s1, $0x2  }
0xc7: {  	s4 =	sand.u32 $0x4000, s31;
	s1 =	sadd.s32 s1, s30  }
0xc8: {  	s0 =	sor.u32 s4, s0;
	s1 =	sshll.u32 s1, $0x11  }
0xc9: {  	s0 =	sor.u32 s1, s0  }
0xca: {  	s0 =	sadd.s32 $0x8F2B, s0  }
0xcb: {  	[sflag:s0] =	ssyncadd.remote.s32 $0x1  }
0xcc: {  	_ =	sfence.sel $0xFFFF  }
0xcd: {  	[dreg:$0x0] =	wrdreg $0xFFFFFFFF;
	(pc) =	sbr.abs _section_cstart, $3  }
0xce: {  	[dreg:$0x1] =	wrdreg $0xFFFFFFFF  }
0xcf: {  	_ =	task.clear_ibuf [dreg:s22], $0x2FFFF;
	_ =	strace $0x9FFFFFFF  }
0xd0: {  	(tm) =	ssettm $0x7FFFFFFF  }
0xd1: {  	_ =	shalt  }
tec
execute0_lowered:
.L_overlay_start_1:
0x0: {  	(tag) =	ssettag $0x1  }
0x1: {  	s0 =	stileid.u32  }
0x2: {  	s1 =	srdreg.scid;
	s9 =	rddreg [dreg:$0x0];
	s4 =	simm.s32 $0x1  }
0x3: {  	s6 =	simm.s32 $0x2;
	s11 =	simm.s32 $0x1;
	s31 =	simm.s32 $0x3  }
0x4: {  	s13 =	simm.s32 $0x0;
	s1 =	sand.u32 $0x1, s1;
	s2 =	sshll.u32 s0, $0x1  }
0x5: {  	s12 =	simm.s32 $0x0;
	s3 =	sadd.s32 $0x791000, s9;
	s7 =	sor.u32 s2, s1  }
0x6: {  	s1 =	rddreg [dreg:$0x1];
	_ =	strace $0x8000004A;
	s2 =	smul.u32 $0x680, s7  }
0x7: {  	[sflag:s4] =	ssyncpa.u1 $0x0;
	p0 =	seq.s32 s7, $0x0;
	s7 =	simm.s32 $0xD000  }
0x8: {  	s7 =	simm.s32 @!p0 $0x0;
	s11 =	simm.s32 @!p0 $0x0;
	[sflag:s6] =	ssyncpa.u1 $0x0  }
.Ltmp0:
0x9: {  	s5 =	sshrl.u32 s2, $0x3;
	s10 =	ssub.s32 $0xD000, s2;
	(pc) =	sbr.rel .LBB2_1-.Ltmp0, $4  }
0xa: {  	[sflag:s31] =	ssyncpa.u1 $0x0;
	p0 =	sne.s32 s10, s7;
	s7 =	simm.s32 $0x1  }
0xb: {  	s8 =	sadd.s32 s5, s9;
	s5 =	sadd.s32 $0xA0E000, s9;
	s7 =	simm.s32 @!p0 $0x0  }
0xc: {  	s9 =	sadd.s32 $0xA1B000, s9;
	s8 =	sadd.s32 $0xA0C600, s8;
	s7 =	sadd.s32 s11, s7  }
0xd: {  	vm0 =	vmmov $0xffff;
	p0 =	por $0x0, $0x0;
	s11 =	simm.s32 $0x0;
	s10 =	sadd.s32 $0x1, s7  }
.LBB2_4:
0xe: {  	_ =	sdelay $0x2  }
0xf: {  	(ifvalue) =	ssetifvalue $0x7FFFFFFF  }
0x10: {  	[tilespmem:s20], [sflag:$0x1] =	stream.indirect_vreg.gather [hbm4b:s3+s11], $0x1, v0, vm0, $0x4038;
	[tilespmem:$0xDD00] =	vst v63  }
0x11: {  	_ =	swait.ge [sflag:s4], $0x6800  }
0x12: {  	[sflag:s4] =	ssyncset.done $0x0  }
0x13: {  	s16 =	sadd.s32 s5, s13;
	[sflag:s4] =	ssyncadd.s32 $0xFFFF9800  }
0x14: {  	[hbm:s16] =	stream.linear.scatter [tilespmem:s15], [sflag:$0x3], $0x3400, $0x38;
	[tilespmem:$0xDD00] =	vst v63  }
0x15: {  	s14 =	sadd.s32 $0x4100, s14;
	s31 =	sadd.s32 s13, s9  }
0x16: {  	[hbm:s31] =	stream.linear.scatter [tilespmem:s14], [sflag:$0x3], $0x3400, $0x38;
	[tilespmem:$0xDD00] =	vst v63  }
.LBB2_5:
0x17: {  	p2 =	sne.s32 s12, s10  }
.Ltmp1:
0x18: {  	p1 =	slt.u32 s12, $0x2;
	(pc) =	sbr.rel @!p2 .LBB2_6-.Ltmp1, $4  }
0x19: {  	s13 =	simm.s32 @!p1 $0x3  }
0x1a: {  	_ =	swait.ge @!p1 [sflag:s13], $0x6800  }
0x1b: {  	s14 =	sadd.s32 $0x1, s12;
	p0 =	por !p0, !p0;
	[sflag:s13] =	ssyncset.done @!p1 $0x0  }
0x1c: {  	s12 =	smov.u32 s14;
	[sflag:s13] =	ssyncadd.s32 @!p1 $0xFFFF9800;
	s13 =	smov.u32 s2  }
.LBB2_1:
0x1d: {  	p1 =	sge.u32 s12, s7  }
0x1e: {  	s14 =	sxor.u32 @!p1 $0x1, s12  }
0x1f: {  	s14 =	smul.u32 @!p1 $0x1A00, s14;
	_ =	sdelay $0x1  }
0x20: {  	s31 =	sadd.s32 $0xFFFFFFFF, s12;
	s15 =	simm.s32 @!p1 $0x0;
	s14 =	sshra.s32 @!p1 s14, $0x2  }
0x21: {  	[tilespmem:s14], [sflag:$0x2] =	stream.linear.gather @!p1 [hbm4b:s8+s15], $0x680, $0x38;
	[tilespmem:$0xDD00] =	vst v63  }
0x22: {  	p1 =	sge.u32 s31, s7  }
.Ltmp2:
0x23: {  	_ = 	snop;
	(pc) =	sbr.rel @p1 .LBB2_5-.Ltmp2, $1  }
0x24: {  	_ =	sdelay $0x3  }
0x25: {  	s14 =	simm.s32 $0x1  }
0x26: {  	s14 =	simm.s32 @!p0 $0x0  }
0x27: {  	_ =	swait.ge [sflag:s6], $0x680;
	s14 =	smul.u32 $0x1A00, s14  }
0x28: {  	[sflag:s6] =	ssyncset.done $0x0  }
0x29: {  	[sflag:s6] =	ssyncadd.s32 $0xFFFFF980;
	s18 =	sshrl.u32 s14, $0x2  }
0x2a: {  	v0 =	vld.msk [tilespmem:s18+$0x0 ss:$0x1], $0xffff;
	_ =	sdelay $0x4  }
0x2b: {  	v1 =	vshrl.u32 v0, $0x4  }
0x2c: {  	v2 =	vand.u32 $0xF, v0;
	vm1 =	veq.s32 v0, $0x80000000;
	v0 =	vand.u32 $0x1FFFF, v1  }
0x2d: {  	v1 =	vmul.u32 $0x187000, v2;
	v0 =	vsel vm1, $0xFFFFFFFF, v0  }
0x2e: {  	v2 =	vshll.u32 v0, $0x3  }
0x2f: {  	s30 =	sand.u32 $0x1, s12;
	v1 =	vsel vm1, $0xFFE79000, v1;
	v2 =	vand.u32 $0xFFFFFC00, v2  }
0x30: {  	s14 =	smul.u32 $0x1A000, s30;
	v0 =	vand.u32 $0x7F, v0;
	v1 =	vadd.s32 v1, v2  }
0x31: {  	v0 =	vor.u32 v0, v1  }
0x32: {  	s16 =	simm.s32 $0x0;
	s14 =	sshrl.u32 s14, $0x2  }
0x33: {  	s17 =	sand.u32 $0x3C00, s16;
	s15 =	sadd.s32 $0xD00, s14  }
0x34: {  	s19 =	sand.u32 $0x70, s16;
	(ifvalue) =	ssetifvalue $0x7FFFFFFF;
	s17 =	sadd.s32 s17, s15;
	v1 =	vor.u32 $0x80, v0  }
0x35: {  	(ifvalue) =	ssetifvalue $0x7FFFFFFF;
	s19 =	sadd.s32 s19, s17  }
0x36: {  	[tilespmem:s19], [sflag:$0x1] =	stream.indirect_vreg.gather [hbm4b:s3+s11], $0x1, v0, vm0, $0x4038;
	[tilespmem:$0xDD00] =	vst v63  }
0x37: {  	v2 =	vor.u32 $0x100, v0;
	(ifvalue) =	ssetifvalue $0x7FFFFFFF  }
0x38: {  	s17 =	sadd.s32 $0x80, s19;
	(ifvalue) =	ssetifvalue $0x7FFFFFFF  }
0x39: {  	[tilespmem:s17], [sflag:$0x1] =	stream.indirect_vreg.gather [hbm4b:s3+s11], $0x1, v1, vm0, $0x4038;
	[tilespmem:$0xDD00] =	vst v63  }
0x3a: {  	v1 =	vor.u32 $0x180, v0;
	(ifvalue) =	ssetifvalue $0x7FFFFFFF  }
0x3b: {  	s31 =	sadd.s32 $0x100, s19;
	(ifvalue) =	ssetifvalue $0x7FFFFFFF  }
0x3c: {  	[tilespmem:s31], [sflag:$0x1] =	stream.indirect_vreg.gather [hbm4b:s3+s11], $0x1, v2, vm0, $0x4038;
	[tilespmem:$0xDD00] =	vst v63  }
0x3d: {  	v2 =	vor.u32 $0x200, v0;
	(ifvalue) =	ssetifvalue $0x7FFFFFFF  }
0x3e: {  	s20 =	sadd.s32 $0x180, s19;
	(ifvalue) =	ssetifvalue $0x7FFFFFFF  }
0x3f: {  	[tilespmem:s20], [sflag:$0x1] =	stream.indirect_vreg.gather [hbm4b:s3+s11], $0x1, v1, vm0, $0x4038;
	[tilespmem:$0xDD00] =	vst v63  }
0x40: {  	(ifvalue) =	ssetifvalue $0x7FFFFFFF;
	v1 =	vor.u32 $0x280, v0  }
0x41: {  	s21 =	sadd.s32 $0x200, s19;
	(ifvalue) =	ssetifvalue $0x7FFFFFFF  }
0x42: {  	[tilespmem:s21], [sflag:$0x1] =	stream.indirect_vreg.gather [hbm4b:s3+s11], $0x1, v2, vm0, $0x4038;
	[tilespmem:$0xDD00] =	vst v63  }
0x43: {  	(ifvalue) =	ssetifvalue $0x7FFFFFFF;
	v2 =	vor.u32 $0x300, v0  }
0x44: {  	s23 =	sand.u32 $0x7, s16;
	s22 =	sadd.s32 $0x280, s19;
	(ifvalue) =	ssetifvalue $0x7FFFFFFF  }
0x45: {  	[tilespmem:s22], [sflag:$0x1] =	stream.indirect_vreg.gather [hbm4b:s3+s11], $0x1, v1, vm0, $0x4038;
	[tilespmem:$0xDD00] =	vst v63  }
0x46: {  	s17 =	sshll.u32 s23, $0x4;
	(ifvalue) =	ssetifvalue $0x7FFFFFFF;
	v1 =	vor.u32 $0x380, v0  }
0x47: {  	s17 =	sadd.s32 $0x0, s17;
	s20 =	sadd.s32 $0x300, s19;
	(ifvalue) =	ssetifvalue $0x7FFFFFFF  }
0x48: {  	[tilespmem:s20], [sflag:$0x1] =	stream.indirect_vreg.gather [hbm4b:s3+s11], $0x1, v2, vm0, $0x4038;
	[tilespmem:$0xDD00] =	vst v63  }
0x49: {  	s17 =	sor.u32 $0x380, s17;
	(ifvalue) =	ssetifvalue $0x7FFFFFFF;
	v2 =	vadd.s32 $0xC3800, v0  }
0x4a: {  	s17 =	sadd.s32 s17, s15;
	(ifvalue) =	ssetifvalue $0x7FFFFFFF  }
0x4b: {  	[tilespmem:s17], [sflag:$0x1] =	stream.indirect_vreg.gather [hbm4b:s3+s11], $0x1, v1, vm0, $0x4038;
	[tilespmem:$0xDD00] =	vst v63  }
0x4c: {  	v1 =	vadd.s32 $0xC3880, v0;
	(ifvalue) =	ssetifvalue $0x7FFFFFFF  }
0x4d: {  	s24 =	sadd.s32 $0x3400, s19;
	(ifvalue) =	ssetifvalue $0x7FFFFFFF  }
0x4e: {  	[tilespmem:s24], [sflag:$0x1] =	stream.indirect_vreg.gather [hbm4b:s3+s11], $0x1, v2, vm0, $0x4038;
	[tilespmem:$0xDD00] =	vst v63  }
0x4f: {  	v2 =	vadd.s32 $0xC3900, v0;
	(ifvalue) =	ssetifvalue $0x7FFFFFFF  }
0x50: {  	s25 =	sadd.s32 $0x3480, s19;
	(ifvalue) =	ssetifvalue $0x7FFFFFFF  }
0x51: {  	[tilespmem:s25], [sflag:$0x1] =	stream.indirect_vreg.gather [hbm4b:s3+s11], $0x1, v1, vm0, $0x4038;
	[tilespmem:$0xDD00] =	vst v63  }
0x52: {  	v1 =	vadd.s32 $0xC3980, v0;
	(ifvalue) =	ssetifvalue $0x7FFFFFFF  }
0x53: {  	s26 =	sadd.s32 $0x3500, s19;
	(ifvalue) =	ssetifvalue $0x7FFFFFFF  }
0x54: {  	[tilespmem:s26], [sflag:$0x1] =	stream.indirect_vreg.gather [hbm4b:s3+s11], $0x1, v2, vm0, $0x4038;
	[tilespmem:$0xDD00] =	vst v63  }
0x55: {  	v2 =	vadd.s32 $0xC3A00, v0;
	(ifvalue) =	ssetifvalue $0x7FFFFFFF  }
0x56: {  	s28 =	sadd.s32 $0x3580, s19;
	(ifvalue) =	ssetifvalue $0x7FFFFFFF  }
0x57: {  	[tilespmem:s28], [sflag:$0x1] =	stream.indirect_vreg.gather [hbm4b:s3+s11], $0x1, v1, vm0, $0x4038;
	[tilespmem:$0xDD00] =	vst v63  }
0x58: {  	v1 =	vadd.s32 $0xC3A80, v0;
	(ifvalue) =	ssetifvalue $0x7FFFFFFF  }
0x59: {  	s29 =	sadd.s32 $0x3600, s19;
	(ifvalue) =	ssetifvalue $0x7FFFFFFF  }
0x5a: {  	[tilespmem:s29], [sflag:$0x1] =	stream.indirect_vreg.gather [hbm4b:s3+s11], $0x1, v2, vm0, $0x4038;
	[tilespmem:$0xDD00] =	vst v63  }
0x5b: {  	v2 =	vadd.s32 $0xC3B00, v0;
	(ifvalue) =	ssetifvalue $0x7FFFFFFF  }
0x5c: {  	s30 =	sadd.s32 $0x3680, s19;
	(ifvalue) =	ssetifvalue $0x7FFFFFFF  }
0x5d: {  	[tilespmem:s30], [sflag:$0x1] =	stream.indirect_vreg.gather [hbm4b:s3+s11], $0x1, v1, vm0, $0x4038;
	[tilespmem:$0xDD00] =	vst v63  }
0x5e: {  	s18 =	sadd.s32 $0x10, s18;
	v0 =	vadd.s32 $0xC3B80, v0;
	(ifvalue) =	ssetifvalue $0x7FFFFFFF  }
0x5f: {  	s31 =	sadd.s32 $0x3700, s19;
	s20 =	sadd.s32 $0x3780, s19;
	(ifvalue) =	ssetifvalue $0x7FFFFFFF  }
0x60: {  	[tilespmem:s31], [sflag:$0x1] =	stream.indirect_vreg.gather [hbm4b:s3+s11], $0x1, v2, vm0, $0x4038;
	[tilespmem:$0xDD00] =	vst v63  }
0x61: {  	s19 =	simm.s32 $0x0;
	s17 =	simm.s32 $0x10;
	(ifvalue) =	ssetifvalue $0x7FFFFFFF  }
.LBB2_3:
0x62: {  	(ifvalue) =	ssetifvalue $0x7FFFFFFF;
	s16 =	sadd.s32 $0x80, s16;
	s19 =	sadd.s32 $0x1, s19  }
0x63: {  	[tilespmem:s20], [sflag:$0x1] =	stream.indirect_vreg.gather [hbm4b:s3+s11], $0x1, v0, vm0, $0x4038;
	[tilespmem:$0xDD00] =	vst v63  }
0x64: {  	p1 =	sne.s32 s17, $0x670;
	s20 =	smov.u32 s17;
	s17 =	sadd.s32 $0x10, s17;
	v0 =	vld.msk [tilespmem:s18+$0x0 ss:$0x1], $0xffff  }
0x65: {  	(ifvalue) =	ssetifvalue $0x7FFFFFFF;
	_ =	sdelay $0x4  }
0x66: {  	v1 =	vand.u32 $0xF, v0;
	v2 =	vshrl.u32 v0, $0x4  }
0x67: {  	vm1 =	veq.s32 v0, $0x80000000;
	v0 =	vand.u32 $0x1FFFF, v2;
	v1 =	vmul.u32 $0x187000, v1  }
0x68: {  	v0 =	vsel vm1, $0xFFFFFFFF, v0  }
0x69: {  	v1 =	vsel vm1, $0xFFE79000, v1;
	v2 =	vshll.u32 v0, $0x3  }
0x6a: {  	v2 =	vand.u32 $0xFFFFFC00, v2  }
0x6b: {  	v0 =	vand.u32 $0x7F, v0;
	v1 =	vadd.s32 v1, v2  }
0x6c: {  	v0 =	vor.u32 v0, v1;
	_ =	sdelay $0x1  }
0x6d: {  	s21 =	sand.u32 $0x3C00, s16  }
0x6e: {  	s20 =	sand.u32 $0x70, s20;
	s21 =	sadd.s32 s21, s15;
	v1 =	vor.u32 $0x80, v0  }
0x6f: {  	s20 =	sadd.s32 s20, s21;
	(ifvalue) =	ssetifvalue $0x7FFFFFFF  }
0x70: {  	[tilespmem:s20], [sflag:$0x1] =	stream.indirect_vreg.gather [hbm4b:s3+s11], $0x1, v0, vm0, $0x4038;
	[tilespmem:$0xDD00] =	vst v63  }
0x71: {  	v2 =	vor.u32 $0x100, v0;
	(ifvalue) =	ssetifvalue $0x7FFFFFFF  }
0x72: {  	s21 =	sadd.s32 $0x80, s20;
	(ifvalue) =	ssetifvalue $0x7FFFFFFF  }
0x73: {  	[tilespmem:s21], [sflag:$0x1] =	stream.indirect_vreg.gather [hbm4b:s3+s11], $0x1, v1, vm0, $0x4038;
	[tilespmem:$0xDD00] =	vst v63  }
0x74: {  	v1 =	vor.u32 $0x180, v0;
	(ifvalue) =	ssetifvalue $0x7FFFFFFF  }
0x75: {  	s21 =	sadd.s32 $0x100, s20;
	(ifvalue) =	ssetifvalue $0x7FFFFFFF  }
0x76: {  	[tilespmem:s21], [sflag:$0x1] =	stream.indirect_vreg.gather [hbm4b:s3+s11], $0x1, v2, vm0, $0x4038;
	[tilespmem:$0xDD00] =	vst v63  }
0x77: {  	v2 =	vor.u32 $0x200, v0;
	(ifvalue) =	ssetifvalue $0x7FFFFFFF  }
0x78: {  	s21 =	sadd.s32 $0x180, s20;
	(ifvalue) =	ssetifvalue $0x7FFFFFFF  }
0x79: {  	[tilespmem:s21], [sflag:$0x1] =	stream.indirect_vreg.gather [hbm4b:s3+s11], $0x1, v1, vm0, $0x4038;
	[tilespmem:$0xDD00] =	vst v63  }
0x7a: {  	v1 =	vor.u32 $0x280, v0;
	(ifvalue) =	ssetifvalue $0x7FFFFFFF  }
0x7b: {  	s21 =	sadd.s32 $0x200, s20;
	(ifvalue) =	ssetifvalue $0x7FFFFFFF  }
0x7c: {  	[tilespmem:s21], [sflag:$0x1] =	stream.indirect_vreg.gather [hbm4b:s3+s11], $0x1, v2, vm0, $0x4038;
	[tilespmem:$0xDD00] =	vst v63  }
0x7d: {  	v2 =	vor.u32 $0x300, v0;
	(ifvalue) =	ssetifvalue $0x7FFFFFFF  }
0x7e: {  	s21 =	sadd.s32 $0x280, s20;
	(ifvalue) =	ssetifvalue $0x7FFFFFFF  }
0x7f: {  	[tilespmem:s21], [sflag:$0x1] =	stream.indirect_vreg.gather [hbm4b:s3+s11], $0x1, v1, vm0, $0x4038;
	[tilespmem:$0xDD00] =	vst v63  }
0x80: {  	s21 =	sand.u32 $0x7, s19;
	v1 =	vor.u32 $0x380, v0;
	(ifvalue) =	ssetifvalue $0x7FFFFFFF  }
0x81: {  	s22 =	sadd.s32 $0x300, s20;
	s21 =	sshll.u32 s21, $0x4;
	(ifvalue) =	ssetifvalue $0x7FFFFFFF  }
0x82: {  	[tilespmem:s22], [sflag:$0x1] =	stream.indirect_vreg.gather [hbm4b:s3+s11], $0x1, v2, vm0, $0x4038;
	[tilespmem:$0xDD00] =	vst v63  }
0x83: {  	s21 =	sadd.s32 s21, s16;
	v2 =	vadd.s32 $0xC3800, v0;
	(ifvalue) =	ssetifvalue $0x7FFFFFFF  }
0x84: {  	s21 =	sor.u32 $0x380, s21;
	(ifvalue) =	ssetifvalue $0x7FFFFFFF  }
0x85: {  	s21 =	sadd.s32 s21, s15  }
0x86: {  	[tilespmem:s21], [sflag:$0x1] =	stream.indirect_vreg.gather [hbm4b:s3+s11], $0x1, v1, vm0, $0x4038;
	v1 =	vadd.s32 $0xC3880, v0;
	[tilespmem:$0xDD00] =	vst v63  }
0x87: {  	s21 =	sadd.s32 $0x3400, s20;
	(ifvalue) =	ssetifvalue $0x7FFFFFFF  }
0x88: {  	(ifvalue) =	ssetifvalue $0x7FFFFFFF  }
0x89: {  	[tilespmem:s21], [sflag:$0x1] =	stream.indirect_vreg.gather [hbm4b:s3+s11], $0x1, v2, vm0, $0x4038;
	v2 =	vadd.s32 $0xC3900, v0;
	[tilespmem:$0xDD00] =	vst v63  }
0x8a: {  	s21 =	sadd.s32 $0x3480, s20;
	(ifvalue) =	ssetifvalue $0x7FFFFFFF  }
0x8b: {  	(ifvalue) =	ssetifvalue $0x7FFFFFFF  }
0x8c: {  	[tilespmem:s21], [sflag:$0x1] =	stream.indirect_vreg.gather [hbm4b:s3+s11], $0x1, v1, vm0, $0x4038;
	v1 =	vadd.s32 $0xC3980, v0;
	[tilespmem:$0xDD00] =	vst v63  }
0x8d: {  	s21 =	sadd.s32 $0x3500, s20;
	(ifvalue) =	ssetifvalue $0x7FFFFFFF  }
0x8e: {  	(ifvalue) =	ssetifvalue $0x7FFFFFFF  }
0x8f: {  	[tilespmem:s21], [sflag:$0x1] =	stream.indirect_vreg.gather [hbm4b:s3+s11], $0x1, v2, vm0, $0x4038;
	v2 =	vadd.s32 $0xC3A00, v0;
	[tilespmem:$0xDD00] =	vst v63  }
0x90: {  	s21 =	sadd.s32 $0x3580, s20;
	(ifvalue) =	ssetifvalue $0x7FFFFFFF  }
0x91: {  	(ifvalue) =	ssetifvalue $0x7FFFFFFF  }
0x92: {  	[tilespmem:s21], [sflag:$0x1] =	stream.indirect_vreg.gather [hbm4b:s3+s11], $0x1, v1, vm0, $0x4038;
	v1 =	vadd.s32 $0xC3A80, v0;
	[tilespmem:$0xDD00] =	vst v63  }
0x93: {  	s21 =	sadd.s32 $0x3600, s20;
	(ifvalue) =	ssetifvalue $0x7FFFFFFF  }
0x94: {  	(ifvalue) =	ssetifvalue $0x7FFFFFFF  }
0x95: {  	[tilespmem:s21], [sflag:$0x1] =	stream.indirect_vreg.gather [hbm4b:s3+s11], $0x1, v2, vm0, $0x4038;
	v2 =	vadd.s32 $0xC3B00, v0;
	[tilespmem:$0xDD00] =	vst v63  }
0x96: {  	s21 =	sadd.s32 $0x3680, s20;
	(ifvalue) =	ssetifvalue $0x7FFFFFFF  }
0x97: {  	(ifvalue) =	ssetifvalue $0x7FFFFFFF  }
0x98: {  	[tilespmem:s21], [sflag:$0x1] =	stream.indirect_vreg.gather [hbm4b:s3+s11], $0x1, v1, vm0, $0x4038;
	[tilespmem:$0xDD00] =	vst v63  }
.Ltmp3:
0x99: {  	v0 =	vadd.s32 $0xC3B80, v0;
	(pc) =	sbr.rel @p1 .LBB2_3-.Ltmp3, $4  }
0x9a: {  	s21 =	sadd.s32 $0x3700, s20;
	(ifvalue) =	ssetifvalue $0x7FFFFFFF  }
0x9b: {  	(ifvalue) =	ssetifvalue $0x7FFFFFFF  }
0x9c: {  	[tilespmem:s21], [sflag:$0x1] =	stream.indirect_vreg.gather [hbm4b:s3+s11], $0x1, v2, vm0, $0x4038;
	[tilespmem:$0xDD00] =	vst v63  }
0x9d: {  	s18 =	sadd.s32 $0x10, s18;
	s20 =	sadd.s32 $0x3780, s20;
	(ifvalue) =	ssetifvalue $0x7FFFFFFF  }
.Ltmp4:
0x9e: {  	_ = 	snop;
	(pc) =	sbr.rel .LBB2_4-.Ltmp4, $1  }
0x9f: {  	_ =	sdelay $0x3  }
.LBB2_6:
0xa0: {  	_ =	sfence.sel $0x180000  }
0xa1: {  	s2 =	simm.s32 $0x2;
	[bflag:$0x0] =	sbarrier.arrive $0xFFFF  }
0xa2: {  	s30 =	simm.s32 $0x3;
	[sflag:s2] =	ssyncpa.u1 $0x1  }
0xa3: {  	s31 =	simm.s32 $0x1;
	[sflag:s30] =	ssyncpa.u1 $0x1  }
0xa4: {  	[sflag:s31] =	ssyncpa.u1 $0x1  }
0xa5: {  	p0 =	sne.s32 s0, $0x0;
	_ =	strace $0x9000004A  }
0xa6: {  	s0 =	sadd.s32 @!p0 $0x100000, s1;
	[bflag:$0x2] =	sbarrier.arrive $0xFFFF  }
0xa7: {  	[sflag:s0] =	ssyncadd.tile.s32 @!p0 $0x1;
	_ =	shalt  }
.Lfunc_end2:
_tile_overlayer_lowered:
.L_overlay_start_2:
0xa8: {  	(tag) =	ssettag $0x2  }
0xa9: {  	s0 =	rddreg [dreg:$0x0];
	s2 =	stileid.u32  }
0xaa: {  	s1 =	rddreg [dreg:$0x1];
	p0 =	sne.s32 s2, $0x0  }
0xab: {  	s3 =	rddreg [dreg:$0x2];
	[bflag:$0x3] =	sbarrier.arrive $0xFFFF;
	s2 =	simm.s32 @!p0 $0x1C01  }
0xac: {  	[timem:s3], [sflag:s2] =	dma.local @!p0 [hbm:s0], s1  }
0xad: {  	s0 =	simm.s32 @!p0 $0x1  }
0xae: {  	_ =	swait.ge @!p0 [sflag:s0], s1  }
0xaf: {  	s1 =	ssub.s32 @!p0 $0x0, s1;
	[sflag:s0] =	ssyncset.done @!p0 $0x0  }
0xb0: {  	[sflag:s0] =	ssyncadd.s32 @!p0 s1  }
0xb1: {  	[bflag:$0x3] =	sbarrier.arrive $0xFFFF  }
0xb2: {  	_ =	shalt  }

// kernel: gather_offload_async_start
scs
__scs_entry_jumppad:
0x0: {  	(pc) =	sbr.rel $0x88, $3  }
0x1: {  	(tag) =	ssettag $0x0;
	lr =	simm.s32 $0x1  }
0x2: {  	[smem:$0x3F94] =	sst lr;
	_ =	strace $0xD0000000  }
0x3: {  	_ = 	snop  }
0x4: {  	_ = 	snop  }
0x5: {  	_ = 	snop  }
0x6: {  	_ = 	snop  }
0x7: {  	_ = 	snop  }
__scs_overlays_trampoline_lowered:
0x8: {  	[smem:$0x3FA3] =	sst s0  }
0x9: {  	[smem:$0x3FA4] =	sst s1  }
0xa: {  	[smem:$0x3FA5] =	sst s2  }
0xb: {  	[smem:$0x3FA6] =	sst s3  }
0xc: {  	[smem:$0x3FA7] =	sst s4  }
0xd: {  	[smem:$0x3FA8] =	sst s5  }
0xe: {  	[smem:$0x3FA9] =	sst s6  }
0xf: {  	[smem:$0x3FAA] =	sst s7  }
0x10: {  	[smem:$0x3FAB] =	sst s8  }
0x11: {  	[smem:$0x3FAC] =	sst s9;
	s0 =	simm.s32 @!p0 $0x0  }
0x12: {  	s1 =	sld [smem:$0x3F92];
	s0 =	simm.s32 @p0 $0x1  }
0x13: {  	[smem:$0x3FAD] =	sst s0;
	s0 =	simm.s32 @!p1 $0x0  }
0x14: {  	s2 =	sld [smem:$0x3F91];
	s0 =	simm.s32 @p1 $0x1  }
0x15: {  	[smem:$0x3FAE] =	sst s0;
	s0 =	simm.s32 @!p2 $0x0  }
0x16: {  	s3 =	sld [smem:$0x3FDB];
	s0 =	simm.s32 @p2 $0x1  }
0x17: {  	s4 =	simm.s32 $0x1BF5;
	[smem:$0x3FB0] =	sst s0  }
0x18: {  	s0 =	sld [smem:$0x3F93];
	_ =	swait.ge [sflag:s4], $0x0  }
0x19: {  	s7 =	sld [smem:$0x3F94]  }
0x1a: {  	s8 =	sadd.s32 $0xFFFFE003, lr  }
0x1b: {  	s9 =	sadd.s32 $0xFFFFFEF7, lr;
	s5 =	simm.s32 $0xFFFFFFFF;
	p2 =	slt.u32 s8, $0xFFFFF086  }
0x1c: {  	p1 =	slt.u32 s9, $0xF7A;
	s5 =	simm.s32 @!p2 $0x0  }
0x1d: {  	s5 =	simm.s32 @p1 $0x1;
	p0 =	seq.s32 s7, s2  }
0x1e: {  	s7 =	smul.u32 @!p0 $0xF7A, s2;
	p2 =	seq.s32 @!p0 s5, $0x0  }
0x1f: {  	s9 =	smul.u32 $0xF7A, s1;
	s8 =	simm.s32 @!p0 $0x1BF5;
	p2 =	por !p2, p0  }
0x20: {  	[sflag:s8] =	ssyncset.s32 @!p0 $0xFFFFF086;
	s6 =	sadd.s32 @!p0 s3, s7;
	s7 =	simm.s32 @!p0 $0x108  }
0x21: {  	s3 =	sadd.s32 s3, s9;
	s6 =	sadd.s32 @!p0 $0x88, s6;
	s7 =	simm.s32 @p2 $0x1082  }
0x22: {  	[simem:s7], [sflag:s8] =	dma.local @!p0 [hbm:s6], $0xF7A  }
0x23: {  	s9 =	sor.u32 $0xD0000000, s2;
	s6 =	simm.s32 $0x108;
	_ =	swait.ge @!p0 [sflag:s8], $0x0  }
0x24: {  	s3 =	sadd.s32 $0x88, s3;
	s6 =	simm.s32 @!p1 $0x1082;
	[sflag:s4] =	ssyncset.s32 $0xFFFFF086  }
0x25: {  	[simem:s6], [sflag:s4] =	dma.local [hbm:s3], $0xF7A  }
0x26: {  	[smem:$0x3F94] =	sst s1;
	(tag) =	ssettag s2;
	_ =	strace s9  }
0x27: {  	s1 =	sld [smem:$0x3FA4]  }
0x28: {  	s2 =	sld [smem:$0x3FA5]  }
0x29: {  	s4 =	sld [smem:$0x3FA7]  }
0x2a: {  	p0 =	seq.s32 s5, $0x0;
	s5 =	sld [smem:$0x3FA8]  }
0x2b: {  	s6 =	sld [smem:$0x3FA9]  }
0x2c: {  	s7 =	sld [smem:$0x3FAA]  }
0x2d: {  	s3 =	simm.s32 $0x108;
	s8 =	sld [smem:$0x3FAB]  }
0x2e: {  	s3 =	simm.s32 @!p0 $0x1082;
	s9 =	sld [smem:$0x3FAC]  }
0x2f: {  	lr =	sadd.s32 s0, s3;
	s0 =	sld [smem:$0x3FA3]  }
0x30: {  	s3 =	sld [smem:$0x3FA6]  }
0x31: {  	[smem:$0x3FAF] =	sst s10  }
0x32: {  	s10 =	sld [smem:$0x3FAD];
	_ =	sdelay $0x3  }
0x33: {  	p0 =	seq.s32 s10, $0x1;
	s10 =	sld [smem:$0x3FAF];
	_ =	sdelay $0x3  }
0x34: {  	[smem:$0x3FAF] =	sst s10  }
0x35: {  	s10 =	sld [smem:$0x3FAE];
	_ =	sdelay $0x3  }
0x36: {  	p1 =	seq.s32 s10, $0x1;
	s10 =	sld [smem:$0x3FAF];
	_ =	sdelay $0x3  }
0x37: {  	[smem:$0x3FAF] =	sst s10  }
0x38: {  	s10 =	sld [smem:$0x3FB0]  }
0x39: {  	_ = 	snop;
	(pc) =	sbr.ind lr, $3  }
0x3a: {  	_ = 	snop  }
0x3b: {  	_ = 	snop  }
0x3c: {  	p2 =	seq.s32 s10, $0x1;
	s10 =	sld [smem:$0x3FAF]  }
0x3d: {  	_ =	shalt  }
0x3e: {  	_ =	shalt  }
0x3f: {  	_ =	shalt  }
0x40: {  	_ =	shalt  }
0x41: {  	_ =	shalt  }
0x42: {  	_ =	shalt  }
0x43: {  	_ =	shalt  }
0x44: {  	_ =	shalt  }
0x45: {  	_ =	shalt  }
0x46: {  	_ =	shalt  }
0x47: {  	_ =	shalt  }
0x48: {  	_ =	shalt  }
0x49: {  	_ =	shalt  }
0x4a: {  	_ =	shalt  }
0x4b: {  	_ =	shalt  }
0x4c: {  	_ =	shalt  }
0x4d: {  	_ =	shalt  }
0x4e: {  	_ =	shalt  }
0x4f: {  	_ =	shalt  }
0x50: {  	_ =	shalt  }
0x51: {  	_ =	shalt  }
0x52: {  	_ =	shalt  }
0x53: {  	_ =	shalt  }
0x54: {  	_ =	shalt  }
0x55: {  	_ =	shalt  }
0x56: {  	_ =	shalt  }
0x57: {  	_ =	shalt  }
0x58: {  	_ =	shalt  }
0x59: {  	_ =	shalt  }
0x5a: {  	_ =	shalt  }
0x5b: {  	_ =	shalt  }
0x5c: {  	_ =	shalt  }
0x5d: {  	_ =	shalt  }
0x5e: {  	_ =	shalt  }
0x5f: {  	_ =	shalt  }
0x60: {  	_ =	shalt  }
0x61: {  	_ =	shalt  }
0x62: {  	_ =	shalt  }
0x63: {  	_ =	shalt  }
0x64: {  	_ =	shalt  }
0x65: {  	_ =	shalt  }
0x66: {  	_ =	shalt  }
0x67: {  	_ =	shalt  }
0x68: {  	_ =	shalt  }
0x69: {  	_ =	shalt  }
0x6a: {  	_ =	shalt  }
0x6b: {  	_ =	shalt  }
0x6c: {  	_ =	shalt  }
0x6d: {  	_ =	shalt  }
0x6e: {  	_ =	shalt  }
0x6f: {  	_ =	shalt  }
0x70: {  	_ =	shalt  }
0x71: {  	_ =	shalt  }
0x72: {  	_ =	shalt  }
0x73: {  	_ =	shalt  }
0x74: {  	_ =	shalt  }
0x75: {  	_ =	shalt  }
0x76: {  	_ =	shalt  }
0x77: {  	_ =	shalt  }
0x78: {  	_ =	shalt  }
0x79: {  	_ =	shalt  }
0x7a: {  	_ =	shalt  }
0x7b: {  	_ =	shalt  }
0x7c: {  	_ =	shalt  }
0x7d: {  	_ =	shalt  }
0x7e: {  	_ =	shalt  }
0x7f: {  	_ =	shalt  }
0x80: {  	_ =	shalt  }
0x81: {  	_ =	shalt  }
0x82: {  	_ =	shalt  }
0x83: {  	_ =	shalt  }
0x84: {  	_ =	shalt  }
0x85: {  	_ =	shalt  }
0x86: {  	_ =	shalt  }
0x87: {  	_ =	shalt  }
.Lfunc_end0:
.L_simem_size_0:
called_computation_lowered:
.L_overlay_start_0:
0x88: {  	s2 =	sld [smem:$0x3FD9]  }
0x89: {  	s3 =	sld [smem:$0x3FFE];
	_ =	sdelay $0x1  }
0x8a: {  	s1 =	srdreg.scid  }
0x8b: {  	s0 =	sand.u32 $0x1, s1  }
0x8c: {  	s16 =	sshll.u32 s0, $0xA;
	s2 =	sadd.s32 s3, s2  }
0x8d: {  	s2 =	sadd.s32 s2, s16  }
0x8e: {  	[smem:$0x3FBB] =	sst s2  }
0x8f: {  	_ = 	snop  }
0x90: {  	(tm) =	ssettm $0x1  }
0x91: {  	s17 =	sld [smem:$0x3FFB];
	_ =	sdelay $0x3  }
0x92: {  	_ =	strace s17  }
0x93: {  	s2 =	sld [smem:$0x3FFC];
	_ =	sdelay $0x3  }
0x94: {  	_ =	strace s2  }
0x95: {  	s2 =	sld [smem:$0x3FFD];
	_ =	sdelay $0x3  }
0x96: {  	_ =	strace s2  }
0x97: {  	_ =	strace $0x8FFFFFFF  }
0x98: {  	s18 =	sld [smem:$0x3FDB];
	_ =	sdelay $0x1  }
0x99: {  	s19 =	simm.s32 $_scs_section_size  }
0x9a: {  	s4 =	simm.s32 $_size__tile_overlayer_lowered;
	s5 =	simm.s32 $_tile_overlayer_lowered  }
0x9b: {  	s22 =	simm.s32 $0x1BFF;
	s21 =	sshll.u32 s5, $0x1;
	s2 =	sadd.s32 s19, s18  }
0x9c: {  	s6 =	simm.s32 $0x0;
	s20 =	sshll.u32 s4, $0x1;
	s4 =	sadd.s32 s21, s2  }
0x9d: {  	[timem:s6], [sflag:s22] =	dma.local [hbm:s4], s20  }
0x9e: {  	_ =	swait.ge [sflag:s22], s20  }
0x9f: {  	s3 =	ssub.s32 $0x0, s20;
	[sflag:s22] =	ssyncset.done $0x0  }
0xa0: {  	[sflag:s22] =	ssyncadd.s32 s3;
	_ =	sdelay $0x1  }
0xa1: {  	s23 =	simm.s32 $0x1B8B  }
0xa2: {  	_ =	swait.ge [sflag:s23], $0x1  }
0xa3: {  	[sflag:s23] =	ssyncset.done $0x0  }
0xa4: {  	s25 =	simm.s32 $0x1B8E;
	s24 =	sld [smem:$0x3FFE];
	[sflag:s23] =	ssyncadd.s32 $0xFFFFFFFF  }
0xa5: {  	s26 =	simm.s32 $execute0_lowered;
	[smem:$0x3FD2] =	sst s25  }
0xa6: {  	s4 =	sshll.u32 s26, $0x1;
	_ =	strace $0x80000046;
	[dreg:$0x1] =	wrdreg $0xFFFFFFFF  }
0xa7: {  	s28 =	simm.s32 $_size_execute0_lowered;
	s2 =	sadd.s32 s2, s4;
	[dreg:$0x0] =	wrdreg $0x0  }
0xa8: {  	s4 =	sshll.u32 s28, $0x1;
	[dreg:$0x2] =	wrdreg s2  }
0xa9: {  	[dreg:$0x3] =	wrdreg s4  }
0xaa: {  	[dreg:$0x4] =	wrdreg $0xC0  }
0xab: {  	_ =	task [dreg:s6], $0x5FFFF  }
0xac: {  	[dreg:$0x1] =	wrdreg $0xFFFFFFFF  }
0xad: {  	[dreg:$0x0] =	wrdreg $0x60  }
0xae: {  	[dreg:$0x2] =	wrdreg s24  }
0xaf: {  	[dreg:$0x3] =	wrdreg $0x9  }
0xb0: {  	_ =	task.clear_ibuf [dreg:s6], $0x4FFFF;
	_ =	strace $0x90000046  }
0xb1: {  	s29 =	simm.s32 $0x9;
	_ =	strace $0x80000048  }
0xb2: {  	_ =	swait.ge [sflag:s29], $0x1  }
0xb3: {  	[sflag:s29] =	ssyncadd.s32 $0xFFFFFFFF  }
0xb4: {  	_ =	strace $0x90000048  }
0xb5: {  	_ =	sfence  }
0xb6: {  	s30 =	sld [smem:$0x0];
	_ =	sdelay $0x2  }
0xb7: {  	s31 =	sshll.u32 s1, $0xD;
	s1 =	sshrl.u32 s1, $0x2  }
0xb8: {  	s3 =	sand.u32 $0x4000, s31;
	s1 =	sadd.s32 s1, s30  }
0xb9: {  	s0 =	sor.u32 s3, s0;
	s1 =	sshll.u32 s1, $0x11  }
0xba: {  	s0 =	sor.u32 s1, s0  }
0xbb: {  	s0 =	sadd.s32 $0x8F2B, s0  }
0xbc: {  	[sflag:s0] =	ssyncadd.remote.s32 $0x1  }
0xbd: {  	_ =	sfence.sel $0xFFFF  }
0xbe: {  	[dreg:$0x0] =	wrdreg $0xFFFFFFFF;
	(pc) =	sbr.abs _section_cstart, $3  }
0xbf: {  	[dreg:$0x1] =	wrdreg $0xFFFFFFFF  }
0xc0: {  	_ =	task.clear_ibuf [dreg:s6], $0x2FFFF;
	_ =	strace $0x9FFFFFFF  }
0xc1: {  	(tm) =	ssettm $0x7FFFFFFF  }
tec
execute0_lowered:
.L_overlay_start_1:
0x0: {  	(tag) =	ssettag $0x1  }
0x1: {  	s0 =	stileid.u32  }
0x2: {  	s1 =	srdreg.scid;
	s9 =	rddreg [dreg:$0x0];
	s4 =	simm.s32 $0x1  }
0x3: {  	s6 =	simm.s32 $0x2;
	s11 =	simm.s32 $0x1;
	s31 =	simm.s32 $0x3  }
0x4: {  	s13 =	simm.s32 $0x0;
	s1 =	sand.u32 $0x1, s1;
	s2 =	sshll.u32 s0, $0x1  }
0x5: {  	s12 =	simm.s32 $0x0;
	s3 =	sadd.s32 $0x280400, s9;
	s7 =	sor.u32 s2, s1  }
0x6: {  	s1 =	rddreg [dreg:$0x1];
	_ =	strace $0x80000047;
	s2 =	smul.u32 $0x680, s7  }
0x7: {  	[sflag:s4] =	ssyncpa.u1 $0x0;
	p0 =	seq.s32 s7, $0x0;
	s7 =	simm.s32 $0xD000  }
0x8: {  	s7 =	simm.s32 @!p0 $0x0;
	s11 =	simm.s32 @!p0 $0x0;
	[sflag:s6] =	ssyncpa.u1 $0x0  }
.Ltmp0:
0x9: {  	s5 =	sshrl.u32 s2, $0x3;
	s10 =	ssub.s32 $0xD000, s2;
	(pc) =	sbr.rel .LBB2_1-.Ltmp0, $4  }
0xa: {  	[sflag:s31] =	ssyncpa.u1 $0x0;
	p0 =	sne.s32 s10, s7;
	s7 =	simm.s32 $0x1  }
0xb: {  	s8 =	sadd.s32 s5, s9;
	s5 =	sadd.s32 $0x4FBA00, s9;
	s7 =	simm.s32 @!p0 $0x0  }
0xc: {  	s9 =	sadd.s32 $0x508A00, s9;
	s8 =	sadd.s32 $0x3400, s8;
	s7 =	sadd.s32 s11, s7  }
0xd: {  	vm0 =	vmmov $0xffff;
	p0 =	por $0x0, $0x0;
	s11 =	simm.s32 $0x0;
	s10 =	sadd.s32 $0x1, s7  }
.LBB2_4:
0xe: {  	_ =	sdelay $0x2  }
0xf: {  	(ifvalue) =	ssetifvalue $0x7FFFFFFF  }
0x10: {  	[tilespmem:s20], [sflag:$0x1] =	stream.indirect_vreg.gather [hbm4b:s3+s11], $0x1, v0, vm0, $0x4038;
	[tilespmem:$0xDD00] =	vst v63  }
0x11: {  	_ =	swait.ge [sflag:s4], $0x6800  }
0x12: {  	[sflag:s4] =	ssyncset.done $0x0  }
0x13: {  	s16 =	sadd.s32 s5, s13;
	[sflag:s4] =	ssyncadd.s32 $0xFFFF9800  }
0x14: {  	[hbm:s16] =	stream.linear.scatter [tilespmem:s15], [sflag:$0x3], $0x3400, $0x38;
	[tilespmem:$0xDD00] =	vst v63  }
0x15: {  	s14 =	sadd.s32 $0x4100, s14;
	s31 =	sadd.s32 s13, s9  }
0x16: {  	[hbm:s31] =	stream.linear.scatter [tilespmem:s14], [sflag:$0x3], $0x3400, $0x38;
	[tilespmem:$0xDD00] =	vst v63  }
.LBB2_5:
0x17: {  	p2 =	sne.s32 s12, s10  }
.Ltmp1:
0x18: {  	p1 =	slt.u32 s12, $0x2;
	(pc) =	sbr.rel @!p2 .LBB2_6-.Ltmp1, $4  }
0x19: {  	s13 =	simm.s32 @!p1 $0x3  }
0x1a: {  	_ =	swait.ge @!p1 [sflag:s13], $0x6800  }
0x1b: {  	s14 =	sadd.s32 $0x1, s12;
	p0 =	por !p0, !p0;
	[sflag:s13] =	ssyncset.done @!p1 $0x0  }
0x1c: {  	s12 =	smov.u32 s14;
	[sflag:s13] =	ssyncadd.s32 @!p1 $0xFFFF9800;
	s13 =	smov.u32 s2  }
.LBB2_1:
0x1d: {  	p1 =	sge.u32 s12, s7  }
0x1e: {  	s14 =	sxor.u32 @!p1 $0x1, s12  }
0x1f: {  	s14 =	smul.u32 @!p1 $0x1A00, s14;
	_ =	sdelay $0x1  }
0x20: {  	s31 =	sadd.s32 $0xFFFFFFFF, s12;
	s15 =	simm.s32 @!p1 $0x0;
	s14 =	sshra.s32 @!p1 s14, $0x2  }
0x21: {  	[tilespmem:s14], [sflag:$0x2] =	stream.linear.gather @!p1 [hbm4b:s8+s15], $0x680, $0x38;
	[tilespmem:$0xDD00] =	vst v63  }
0x22: {  	p1 =	sge.u32 s31, s7  }
.Ltmp2:
0x23: {  	_ = 	snop;
	(pc) =	sbr.rel @p1 .LBB2_5-.Ltmp2, $1  }
0x24: {  	_ =	sdelay $0x3  }
0x25: {  	s14 =	simm.s32 $0x1  }
0x26: {  	s14 =	simm.s32 @!p0 $0x0  }
0x27: {  	_ =	swait.ge [sflag:s6], $0x680;
	s14 =	smul.u32 $0x1A00, s14  }
0x28: {  	[sflag:s6] =	ssyncset.done $0x0  }
0x29: {  	[sflag:s6] =	ssyncadd.s32 $0xFFFFF980;
	s18 =	sshrl.u32 s14, $0x2  }
0x2a: {  	v0 =	vld.msk [tilespmem:s18+$0x0 ss:$0x1], $0xffff;
	_ =	sdelay $0x4  }
0x2b: {  	v1 =	vshrl.u32 v0, $0x4  }
0x2c: {  	v2 =	vand.u32 $0xF, v0;
	vm1 =	veq.s32 v0, $0x80000000;
	v0 =	vand.u32 $0x1FFFF, v1  }
0x2d: {  	v1 =	vmul.u32 $0x187000, v2;
	v0 =	vsel vm1, $0xFFFFFFFF, v0  }
0x2e: {  	v2 =	vshll.u32 v0, $0x3  }
0x2f: {  	s30 =	sand.u32 $0x1, s12;
	v1 =	vsel vm1, $0xFFE79000, v1;
	v2 =	vand.u32 $0xFFFFFC00, v2  }
0x30: {  	s14 =	smul.u32 $0x1A000, s30;
	v0 =	vand.u32 $0x7F, v0;
	v1 =	vadd.s32 v1, v2  }
0x31: {  	v0 =	vor.u32 v0, v1  }
0x32: {  	s16 =	simm.s32 $0x0;
	s14 =	sshrl.u32 s14, $0x2  }
0x33: {  	s17 =	sand.u32 $0x3C00, s16;
	s15 =	sadd.s32 $0xD00, s14  }
0x34: {  	s19 =	sand.u32 $0x70, s16;
	(ifvalue) =	ssetifvalue $0x7FFFFFFF;
	s17 =	sadd.s32 s17, s15;
	v1 =	vor.u32 $0x80, v0  }
0x35: {  	(ifvalue) =	ssetifvalue $0x7FFFFFFF;
	s19 =	sadd.s32 s19, s17  }
0x36: {  	[tilespmem:s19], [sflag:$0x1] =	stream.indirect_vreg.gather [hbm4b:s3+s11], $0x1, v0, vm0, $0x4038;
	[tilespmem:$0xDD00] =	vst v63  }
0x37: {  	v2 =	vor.u32 $0x100, v0;
	(ifvalue) =	ssetifvalue $0x7FFFFFFF  }
0x38: {  	s17 =	sadd.s32 $0x80, s19;
	(ifvalue) =	ssetifvalue $0x7FFFFFFF  }
0x39: {  	[tilespmem:s17], [sflag:$0x1] =	stream.indirect_vreg.gather [hbm4b:s3+s11], $0x1, v1, vm0, $0x4038;
	[tilespmem:$0xDD00] =	vst v63  }
0x3a: {  	v1 =	vor.u32 $0x180, v0;
	(ifvalue) =	ssetifvalue $0x7FFFFFFF  }
0x3b: {  	s31 =	sadd.s32 $0x100, s19;
	(ifvalue) =	ssetifvalue $0x7FFFFFFF  }
0x3c: {  	[tilespmem:s31], [sflag:$0x1] =	stream.indirect_vreg.gather [hbm4b:s3+s11], $0x1, v2, vm0, $0x4038;
	[tilespmem:$0xDD00] =	vst v63  }
0x3d: {  	v2 =	vor.u32 $0x200, v0;
	(ifvalue) =	ssetifvalue $0x7FFFFFFF  }
0x3e: {  	s20 =	sadd.s32 $0x180, s19;
	(ifvalue) =	ssetifvalue $0x7FFFFFFF  }
0x3f: {  	[tilespmem:s20], [sflag:$0x1] =	stream.indirect_vreg.gather [hbm4b:s3+s11], $0x1, v1, vm0, $0x4038;
	[tilespmem:$0xDD00] =	vst v63  }
0x40: {  	(ifvalue) =	ssetifvalue $0x7FFFFFFF;
	v1 =	vor.u32 $0x280, v0  }
0x41: {  	s21 =	sadd.s32 $0x200, s19;
	(ifvalue) =	ssetifvalue $0x7FFFFFFF  }
0x42: {  	[tilespmem:s21], [sflag:$0x1] =	stream.indirect_vreg.gather [hbm4b:s3+s11], $0x1, v2, vm0, $0x4038;
	[tilespmem:$0xDD00] =	vst v63  }
0x43: {  	(ifvalue) =	ssetifvalue $0x7FFFFFFF;
	v2 =	vor.u32 $0x300, v0  }
0x44: {  	s23 =	sand.u32 $0x7, s16;
	s22 =	sadd.s32 $0x280, s19;
	(ifvalue) =	ssetifvalue $0x7FFFFFFF  }
0x45: {  	[tilespmem:s22], [sflag:$0x1] =	stream.indirect_vreg.gather [hbm4b:s3+s11], $0x1, v1, vm0, $0x4038;
	[tilespmem:$0xDD00] =	vst v63  }
0x46: {  	s17 =	sshll.u32 s23, $0x4;
	(ifvalue) =	ssetifvalue $0x7FFFFFFF;
	v1 =	vor.u32 $0x380, v0  }
0x47: {  	s17 =	sadd.s32 $0x0, s17;
	s20 =	sadd.s32 $0x300, s19;
	(ifvalue) =	ssetifvalue $0x7FFFFFFF  }
0x48: {  	[tilespmem:s20], [sflag:$0x1] =	stream.indirect_vreg.gather [hbm4b:s3+s11], $0x1, v2, vm0, $0x4038;
	[tilespmem:$0xDD00] =	vst v63  }
0x49: {  	s17 =	sor.u32 $0x380, s17;
	(ifvalue) =	ssetifvalue $0x7FFFFFFF;
	v2 =	vadd.s32 $0xC3800, v0  }
0x4a: {  	s17 =	sadd.s32 s17, s15;
	(ifvalue) =	ssetifvalue $0x7FFFFFFF  }
0x4b: {  	[tilespmem:s17], [sflag:$0x1] =	stream.indirect_vreg.gather [hbm4b:s3+s11], $0x1, v1, vm0, $0x4038;
	[tilespmem:$0xDD00] =	vst v63  }
0x4c: {  	v1 =	vadd.s32 $0xC3880, v0;
	(ifvalue) =	ssetifvalue $0x7FFFFFFF  }
0x4d: {  	s24 =	sadd.s32 $0x3400, s19;
	(ifvalue) =	ssetifvalue $0x7FFFFFFF  }
0x4e: {  	[tilespmem:s24], [sflag:$0x1] =	stream.indirect_vreg.gather [hbm4b:s3+s11], $0x1, v2, vm0, $0x4038;
	[tilespmem:$0xDD00] =	vst v63  }
0x4f: {  	v2 =	vadd.s32 $0xC3900, v0;
	(ifvalue) =	ssetifvalue $0x7FFFFFFF  }
0x50: {  	s25 =	sadd.s32 $0x3480, s19;
	(ifvalue) =	ssetifvalue $0x7FFFFFFF  }
0x51: {  	[tilespmem:s25], [sflag:$0x1] =	stream.indirect_vreg.gather [hbm4b:s3+s11], $0x1, v1, vm0, $0x4038;
	[tilespmem:$0xDD00] =	vst v63  }
0x52: {  	v1 =	vadd.s32 $0xC3980, v0;
	(ifvalue) =	ssetifvalue $0x7FFFFFFF  }
0x53: {  	s26 =	sadd.s32 $0x3500, s19;
	(ifvalue) =	ssetifvalue $0x7FFFFFFF  }
0x54: {  	[tilespmem:s26], [sflag:$0x1] =	stream.indirect_vreg.gather [hbm4b:s3+s11], $0x1, v2, vm0, $0x4038;
	[tilespmem:$0xDD00] =	vst v63  }
0x55: {  	v2 =	vadd.s32 $0xC3A00, v0;
	(ifvalue) =	ssetifvalue $0x7FFFFFFF  }
0x56: {  	s28 =	sadd.s32 $0x3580, s19;
	(ifvalue) =	ssetifvalue $0x7FFFFFFF  }
0x57: {  	[tilespmem:s28], [sflag:$0x1] =	stream.indirect_vreg.gather [hbm4b:s3+s11], $0x1, v1, vm0, $0x4038;
	[tilespmem:$0xDD00] =	vst v63  }
0x58: {  	v1 =	vadd.s32 $0xC3A80, v0;
	(ifvalue) =	ssetifvalue $0x7FFFFFFF  }
0x59: {  	s29 =	sadd.s32 $0x3600, s19;
	(ifvalue) =	ssetifvalue $0x7FFFFFFF  }
0x5a: {  	[tilespmem:s29], [sflag:$0x1] =	stream.indirect_vreg.gather [hbm4b:s3+s11], $0x1, v2, vm0, $0x4038;
	[tilespmem:$0xDD00] =	vst v63  }
0x5b: {  	v2 =	vadd.s32 $0xC3B00, v0;
	(ifvalue) =	ssetifvalue $0x7FFFFFFF  }
0x5c: {  	s30 =	sadd.s32 $0x3680, s19;
	(ifvalue) =	ssetifvalue $0x7FFFFFFF  }
0x5d: {  	[tilespmem:s30], [sflag:$0x1] =	stream.indirect_vreg.gather [hbm4b:s3+s11], $0x1, v1, vm0, $0x4038;
	[tilespmem:$0xDD00] =	vst v63  }
0x5e: {  	s18 =	sadd.s32 $0x10, s18;
	v0 =	vadd.s32 $0xC3B80, v0;
	(ifvalue) =	ssetifvalue $0x7FFFFFFF  }
0x5f: {  	s31 =	sadd.s32 $0x3700, s19;
	s20 =	sadd.s32 $0x3780, s19;
	(ifvalue) =	ssetifvalue $0x7FFFFFFF  }
0x60: {  	[tilespmem:s31], [sflag:$0x1] =	stream.indirect_vreg.gather [hbm4b:s3+s11], $0x1, v2, vm0, $0x4038;
	[tilespmem:$0xDD00] =	vst v63  }
0x61: {  	s19 =	simm.s32 $0x0;
	s17 =	simm.s32 $0x10;
	(ifvalue) =	ssetifvalue $0x7FFFFFFF  }
.LBB2_3:
0x62: {  	(ifvalue) =	ssetifvalue $0x7FFFFFFF;
	s16 =	sadd.s32 $0x80, s16;
	s19 =	sadd.s32 $0x1, s19  }
0x63: {  	[tilespmem:s20], [sflag:$0x1] =	stream.indirect_vreg.gather [hbm4b:s3+s11], $0x1, v0, vm0, $0x4038;
	[tilespmem:$0xDD00] =	vst v63  }
0x64: {  	p1 =	sne.s32 s17, $0x670;
	s20 =	smov.u32 s17;
	s17 =	sadd.s32 $0x10, s17;
	v0 =	vld.msk [tilespmem:s18+$0x0 ss:$0x1], $0xffff  }
0x65: {  	(ifvalue) =	ssetifvalue $0x7FFFFFFF;
	_ =	sdelay $0x4  }
0x66: {  	v1 =	vand.u32 $0xF, v0;
	v2 =	vshrl.u32 v0, $0x4  }
0x67: {  	vm1 =	veq.s32 v0, $0x80000000;
	v0 =	vand.u32 $0x1FFFF, v2;
	v1 =	vmul.u32 $0x187000, v1  }
0x68: {  	v0 =	vsel vm1, $0xFFFFFFFF, v0  }
0x69: {  	v1 =	vsel vm1, $0xFFE79000, v1;
	v2 =	vshll.u32 v0, $0x3  }
0x6a: {  	v2 =	vand.u32 $0xFFFFFC00, v2  }
0x6b: {  	v0 =	vand.u32 $0x7F, v0;
	v1 =	vadd.s32 v1, v2  }
0x6c: {  	v0 =	vor.u32 v0, v1;
	_ =	sdelay $0x1  }
0x6d: {  	s21 =	sand.u32 $0x3C00, s16  }
0x6e: {  	s20 =	sand.u32 $0x70, s20;
	s21 =	sadd.s32 s21, s15;
	v1 =	vor.u32 $0x80, v0  }
0x6f: {  	s20 =	sadd.s32 s20, s21;
	(ifvalue) =	ssetifvalue $0x7FFFFFFF  }
0x70: {  	[tilespmem:s20], [sflag:$0x1] =	stream.indirect_vreg.gather [hbm4b:s3+s11], $0x1, v0, vm0, $0x4038;
	[tilespmem:$0xDD00] =	vst v63  }
0x71: {  	v2 =	vor.u32 $0x100, v0;
	(ifvalue) =	ssetifvalue $0x7FFFFFFF  }
0x72: {  	s21 =	sadd.s32 $0x80, s20;
	(ifvalue) =	ssetifvalue $0x7FFFFFFF  }
0x73: {  	[tilespmem:s21], [sflag:$0x1] =	stream.indirect_vreg.gather [hbm4b:s3+s11], $0x1, v1, vm0, $0x4038;
	[tilespmem:$0xDD00] =	vst v63  }
0x74: {  	v1 =	vor.u32 $0x180, v0;
	(ifvalue) =	ssetifvalue $0x7FFFFFFF  }
0x75: {  	s21 =	sadd.s32 $0x100, s20;
	(ifvalue) =	ssetifvalue $0x7FFFFFFF  }
0x76: {  	[tilespmem:s21], [sflag:$0x1] =	stream.indirect_vreg.gather [hbm4b:s3+s11], $0x1, v2, vm0, $0x4038;
	[tilespmem:$0xDD00] =	vst v63  }
0x77: {  	v2 =	vor.u32 $0x200, v0;
	(ifvalue) =	ssetifvalue $0x7FFFFFFF  }
0x78: {  	s21 =	sadd.s32 $0x180, s20;
	(ifvalue) =	ssetifvalue $0x7FFFFFFF  }
0x79: {  	[tilespmem:s21], [sflag:$0x1] =	stream.indirect_vreg.gather [hbm4b:s3+s11], $0x1, v1, vm0, $0x4038;
	[tilespmem:$0xDD00] =	vst v63  }
0x7a: {  	v1 =	vor.u32 $0x280, v0;
	(ifvalue) =	ssetifvalue $0x7FFFFFFF  }
0x7b: {  	s21 =	sadd.s32 $0x200, s20;
	(ifvalue) =	ssetifvalue $0x7FFFFFFF  }
0x7c: {  	[tilespmem:s21], [sflag:$0x1] =	stream.indirect_vreg.gather [hbm4b:s3+s11], $0x1, v2, vm0, $0x4038;
	[tilespmem:$0xDD00] =	vst v63  }
0x7d: {  	v2 =	vor.u32 $0x300, v0;
	(ifvalue) =	ssetifvalue $0x7FFFFFFF  }
0x7e: {  	s21 =	sadd.s32 $0x280, s20;
	(ifvalue) =	ssetifvalue $0x7FFFFFFF  }
0x7f: {  	[tilespmem:s21], [sflag:$0x1] =	stream.indirect_vreg.gather [hbm4b:s3+s11], $0x1, v1, vm0, $0x4038;
	[tilespmem:$0xDD00] =	vst v63  }
0x80: {  	s21 =	sand.u32 $0x7, s19;
	v1 =	vor.u32 $0x380, v0;
	(ifvalue) =	ssetifvalue $0x7FFFFFFF  }
0x81: {  	s22 =	sadd.s32 $0x300, s20;
	s21 =	sshll.u32 s21, $0x4;
	(ifvalue) =	ssetifvalue $0x7FFFFFFF  }
0x82: {  	[tilespmem:s22], [sflag:$0x1] =	stream.indirect_vreg.gather [hbm4b:s3+s11], $0x1, v2, vm0, $0x4038;
	[tilespmem:$0xDD00] =	vst v63  }
0x83: {  	s21 =	sadd.s32 s21, s16;
	v2 =	vadd.s32 $0xC3800, v0;
	(ifvalue) =	ssetifvalue $0x7FFFFFFF  }
0x84: {  	s21 =	sor.u32 $0x380, s21;
	(ifvalue) =	ssetifvalue $0x7FFFFFFF  }
0x85: {  	s21 =	sadd.s32 s21, s15  }
0x86: {  	[tilespmem:s21], [sflag:$0x1] =	stream.indirect_vreg.gather [hbm4b:s3+s11], $0x1, v1, vm0, $0x4038;
	v1 =	vadd.s32 $0xC3880, v0;
	[tilespmem:$0xDD00] =	vst v63  }
0x87: {  	s21 =	sadd.s32 $0x3400, s20;
	(ifvalue) =	ssetifvalue $0x7FFFFFFF  }
0x88: {  	(ifvalue) =	ssetifvalue $0x7FFFFFFF  }
0x89: {  	[tilespmem:s21], [sflag:$0x1] =	stream.indirect_vreg.gather [hbm4b:s3+s11], $0x1, v2, vm0, $0x4038;
	v2 =	vadd.s32 $0xC3900, v0;
	[tilespmem:$0xDD00] =	vst v63  }
0x8a: {  	s21 =	sadd.s32 $0x3480, s20;
	(ifvalue) =	ssetifvalue $0x7FFFFFFF  }
0x8b: {  	(ifvalue) =	ssetifvalue $0x7FFFFFFF  }
0x8c: {  	[tilespmem:s21], [sflag:$0x1] =	stream.indirect_vreg.gather [hbm4b:s3+s11], $0x1, v1, vm0, $0x4038;
	v1 =	vadd.s32 $0xC3980, v0;
	[tilespmem:$0xDD00] =	vst v63  }
0x8d: {  	s21 =	sadd.s32 $0x3500, s20;
	(ifvalue) =	ssetifvalue $0x7FFFFFFF  }
0x8e: {  	(ifvalue) =	ssetifvalue $0x7FFFFFFF  }
0x8f: {  	[tilespmem:s21], [sflag:$0x1] =	stream.indirect_vreg.gather [hbm4b:s3+s11], $0x1, v2, vm0, $0x4038;
	v2 =	vadd.s32 $0xC3A00, v0;
	[tilespmem:$0xDD00] =	vst v63  }
0x90: {  	s21 =	sadd.s32 $0x3580, s20;
	(ifvalue) =	ssetifvalue $0x7FFFFFFF  }
0x91: {  	(ifvalue) =	ssetifvalue $0x7FFFFFFF  }
0x92: {  	[tilespmem:s21], [sflag:$0x1] =	stream.indirect_vreg.gather [hbm4b:s3+s11], $0x1, v1, vm0, $0x4038;
	v1 =	vadd.s32 $0xC3A80, v0;
	[tilespmem:$0xDD00] =	vst v63  }
0x93: {  	s21 =	sadd.s32 $0x3600, s20;
	(ifvalue) =	ssetifvalue $0x7FFFFFFF  }
0x94: {  	(ifvalue) =	ssetifvalue $0x7FFFFFFF  }
0x95: {  	[tilespmem:s21], [sflag:$0x1] =	stream.indirect_vreg.gather [hbm4b:s3+s11], $0x1, v2, vm0, $0x4038;
	v2 =	vadd.s32 $0xC3B00, v0;
	[tilespmem:$0xDD00] =	vst v63  }
0x96: {  	s21 =	sadd.s32 $0x3680, s20;
	(ifvalue) =	ssetifvalue $0x7FFFFFFF  }
0x97: {  	(ifvalue) =	ssetifvalue $0x7FFFFFFF  }
0x98: {  	[tilespmem:s21], [sflag:$0x1] =	stream.indirect_vreg.gather [hbm4b:s3+s11], $0x1, v1, vm0, $0x4038;
	[tilespmem:$0xDD00] =	vst v63  }
.Ltmp3:
0x99: {  	v0 =	vadd.s32 $0xC3B80, v0;
	(pc) =	sbr.rel @p1 .LBB2_3-.Ltmp3, $4  }
0x9a: {  	s21 =	sadd.s32 $0x3700, s20;
	(ifvalue) =	ssetifvalue $0x7FFFFFFF  }
0x9b: {  	(ifvalue) =	ssetifvalue $0x7FFFFFFF  }
0x9c: {  	[tilespmem:s21], [sflag:$0x1] =	stream.indirect_vreg.gather [hbm4b:s3+s11], $0x1, v2, vm0, $0x4038;
	[tilespmem:$0xDD00] =	vst v63  }
0x9d: {  	s18 =	sadd.s32 $0x10, s18;
	s20 =	sadd.s32 $0x3780, s20;
	(ifvalue) =	ssetifvalue $0x7FFFFFFF  }
.Ltmp4:
0x9e: {  	_ = 	snop;
	(pc) =	sbr.rel .LBB2_4-.Ltmp4, $1  }
0x9f: {  	_ =	sdelay $0x3  }
.LBB2_6:
0xa0: {  	_ =	sfence.sel $0x180000  }
0xa1: {  	s2 =	simm.s32 $0x2;
	[bflag:$0x0] =	sbarrier.arrive $0xFFFF  }
0xa2: {  	s30 =	simm.s32 $0x3;
	[sflag:s2] =	ssyncpa.u1 $0x1  }
0xa3: {  	s31 =	simm.s32 $0x1;
	[sflag:s30] =	ssyncpa.u1 $0x1  }
0xa4: {  	[sflag:s31] =	ssyncpa.u1 $0x1  }
0xa5: {  	p0 =	sne.s32 s0, $0x0;
	_ =	strace $0x90000047  }
0xa6: {  	s0 =	sadd.s32 @!p0 $0x100000, s1;
	[bflag:$0x2] =	sbarrier.arrive $0xFFFF  }
0xa7: {  	[sflag:s0] =	ssyncadd.tile.s32 @!p0 $0x1;
	_ =	shalt  }
.Lfunc_end2:
_tile_overlayer_lowered:
.L_overlay_start_2:
0xa8: {  	(tag) =	ssettag $0x2  }
0xa9: {  	s0 =	rddreg [dreg:$0x0];
	s2 =	stileid.u32  }
0xaa: {  	s1 =	rddreg [dreg:$0x1];
	p0 =	sne.s32 s2, $0x0  }
0xab: {  	s3 =	rddreg [dreg:$0x2];
	[bflag:$0x3] =	sbarrier.arrive $0xFFFF;
	s2 =	simm.s32 @!p0 $0x1C01  }
0xac: {  	[timem:s3], [sflag:s2] =	dma.local @!p0 [hbm:s0], s1  }
0xad: {  	s0 =	simm.s32 @!p0 $0x1  }
0xae: {  	_ =	swait.ge @!p0 [sflag:s0], s1  }
0xaf: {  	s1 =	ssub.s32 @!p0 $0x0, s1;
	[sflag:s0] =	ssyncset.done @!p0 $0x0  }
0xb0: {  	[sflag:s0] =	ssyncadd.s32 @!p0 s1  }
0xb1: {  	[bflag:$0x3] =	sbarrier.arrive $0xFFFF  }
0xb2: {  	_ =	shalt  }

// kernel: kernel.5.cloned.1.call-start
scs
__scs_entry_jumppad:
0x0: {  	(pc) =	sbr.rel $0x88, $3  }
0x1: {  	(tag) =	ssettag $0x0;
	lr =	simm.s32 $0x1  }
0x2: {  	[smem:$0x3F94] =	sst lr;
	_ =	strace $0xD0000000  }
0x3: {  	_ = 	snop  }
0x4: {  	_ = 	snop  }
0x5: {  	_ = 	snop  }
0x6: {  	_ = 	snop  }
0x7: {  	_ = 	snop  }
__scs_overlays_trampoline_lowered:
0x8: {  	[smem:$0x3FA3] =	sst s0  }
0x9: {  	[smem:$0x3FA4] =	sst s1  }
0xa: {  	[smem:$0x3FA5] =	sst s2  }
0xb: {  	[smem:$0x3FA6] =	sst s3  }
0xc: {  	[smem:$0x3FA7] =	sst s4  }
0xd: {  	[smem:$0x3FA8] =	sst s5  }
0xe: {  	[smem:$0x3FA9] =	sst s6  }
0xf: {  	[smem:$0x3FAA] =	sst s7  }
0x10: {  	[smem:$0x3FAB] =	sst s8  }
0x11: {  	[smem:$0x3FAC] =	sst s9;
	s0 =	simm.s32 @!p0 $0x0  }
0x12: {  	s1 =	sld [smem:$0x3F92];
	s0 =	simm.s32 @p0 $0x1  }
0x13: {  	[smem:$0x3FAD] =	sst s0;
	s0 =	simm.s32 @!p1 $0x0  }
0x14: {  	s2 =	sld [smem:$0x3F91];
	s0 =	simm.s32 @p1 $0x1  }
0x15: {  	[smem:$0x3FAE] =	sst s0;
	s0 =	simm.s32 @!p2 $0x0  }
0x16: {  	s3 =	sld [smem:$0x3FDB];
	s0 =	simm.s32 @p2 $0x1  }
0x17: {  	s4 =	simm.s32 $0x1BF5;
	[smem:$0x3FB0] =	sst s0  }
0x18: {  	s0 =	sld [smem:$0x3F93];
	_ =	swait.ge [sflag:s4], $0x0  }
0x19: {  	s7 =	sld [smem:$0x3F94]  }
0x1a: {  	s8 =	sadd.s32 $0xFFFFE003, lr  }
0x1b: {  	s9 =	sadd.s32 $0xFFFFFEF7, lr;
	s5 =	simm.s32 $0xFFFFFFFF;
	p2 =	slt.u32 s8, $0xFFFFF086  }
0x1c: {  	p1 =	slt.u32 s9, $0xF7A;
	s5 =	simm.s32 @!p2 $0x0  }
0x1d: {  	s5 =	simm.s32 @p1 $0x1;
	p0 =	seq.s32 s7, s2  }
0x1e: {  	s7 =	smul.u32 @!p0 $0xF7A, s2;
	p2 =	seq.s32 @!p0 s5, $0x0  }
0x1f: {  	s9 =	smul.u32 $0xF7A, s1;
	s8 =	simm.s32 @!p0 $0x1BF5;
	p2 =	por !p2, p0  }
0x20: {  	[sflag:s8] =	ssyncset.s32 @!p0 $0xFFFFF086;
	s6 =	sadd.s32 @!p0 s3, s7;
	s7 =	simm.s32 @!p0 $0x108  }
0x21: {  	s3 =	sadd.s32 s3, s9;
	s6 =	sadd.s32 @!p0 $0x88, s6;
	s7 =	simm.s32 @p2 $0x1082  }
0x22: {  	[simem:s7], [sflag:s8] =	dma.local @!p0 [hbm:s6], $0xF7A  }
0x23: {  	s9 =	sor.u32 $0xD0000000, s2;
	s6 =	simm.s32 $0x108;
	_ =	swait.ge @!p0 [sflag:s8], $0x0  }
0x24: {  	s3 =	sadd.s32 $0x88, s3;
	s6 =	simm.s32 @!p1 $0x1082;
	[sflag:s4] =	ssyncset.s32 $0xFFFFF086  }
0x25: {  	[simem:s6], [sflag:s4] =	dma.local [hbm:s3], $0xF7A  }
0x26: {  	[smem:$0x3F94] =	sst s1;
	(tag) =	ssettag s2;
	_ =	strace s9  }
0x27: {  	s1 =	sld [smem:$0x3FA4]  }
0x28: {  	s2 =	sld [smem:$0x3FA5]  }
0x29: {  	s4 =	sld [smem:$0x3FA7]  }
0x2a: {  	p0 =	seq.s32 s5, $0x0;
	s5 =	sld [smem:$0x3FA8]  }
0x2b: {  	s6 =	sld [smem:$0x3FA9]  }
0x2c: {  	s7 =	sld [smem:$0x3FAA]  }
0x2d: {  	s3 =	simm.s32 $0x108;
	s8 =	sld [smem:$0x3FAB]  }
0x2e: {  	s3 =	simm.s32 @!p0 $0x1082;
	s9 =	sld [smem:$0x3FAC]  }
0x2f: {  	lr =	sadd.s32 s0, s3;
	s0 =	sld [smem:$0x3FA3]  }
0x30: {  	s3 =	sld [smem:$0x3FA6]  }
0x31: {  	[smem:$0x3FAF] =	sst s10  }
0x32: {  	s10 =	sld [smem:$0x3FAD];
	_ =	sdelay $0x3  }
0x33: {  	p0 =	seq.s32 s10, $0x1;
	s10 =	sld [smem:$0x3FAF];
	_ =	sdelay $0x3  }
0x34: {  	[smem:$0x3FAF] =	sst s10  }
0x35: {  	s10 =	sld [smem:$0x3FAE];
	_ =	sdelay $0x3  }
0x36: {  	p1 =	seq.s32 s10, $0x1;
	s10 =	sld [smem:$0x3FAF];
	_ =	sdelay $0x3  }
0x37: {  	[smem:$0x3FAF] =	sst s10  }
0x38: {  	s10 =	sld [smem:$0x3FB0]  }
0x39: {  	_ = 	snop;
	(pc) =	sbr.ind lr, $3  }
0x3a: {  	_ = 	snop  }
0x3b: {  	_ = 	snop  }
0x3c: {  	p2 =	seq.s32 s10, $0x1;
	s10 =	sld [smem:$0x3FAF]  }
0x3d: {  	_ =	shalt  }
0x3e: {  	_ =	shalt  }
0x3f: {  	_ =	shalt  }
0x40: {  	_ =	shalt  }
0x41: {  	_ =	shalt  }
0x42: {  	_ =	shalt  }
0x43: {  	_ =	shalt  }
0x44: {  	_ =	shalt  }
0x45: {  	_ =	shalt  }
0x46: {  	_ =	shalt  }
0x47: {  	_ =	shalt  }
0x48: {  	_ =	shalt  }
0x49: {  	_ =	shalt  }
0x4a: {  	_ =	shalt  }
0x4b: {  	_ =	shalt  }
0x4c: {  	_ =	shalt  }
0x4d: {  	_ =	shalt  }
0x4e: {  	_ =	shalt  }
0x4f: {  	_ =	shalt  }
0x50: {  	_ =	shalt  }
0x51: {  	_ =	shalt  }
0x52: {  	_ =	shalt  }
0x53: {  	_ =	shalt  }
0x54: {  	_ =	shalt  }
0x55: {  	_ =	shalt  }
0x56: {  	_ =	shalt  }
0x57: {  	_ =	shalt  }
0x58: {  	_ =	shalt  }
0x59: {  	_ =	shalt  }
0x5a: {  	_ =	shalt  }
0x5b: {  	_ =	shalt  }
0x5c: {  	_ =	shalt  }
0x5d: {  	_ =	shalt  }
0x5e: {  	_ =	shalt  }
0x5f: {  	_ =	shalt  }
0x60: {  	_ =	shalt  }
0x61: {  	_ =	shalt  }
0x62: {  	_ =	shalt  }
0x63: {  	_ =	shalt  }
0x64: {  	_ =	shalt  }
0x65: {  	_ =	shalt  }
0x66: {  	_ =	shalt  }
0x67: {  	_ =	shalt  }
0x68: {  	_ =	shalt  }
0x69: {  	_ =	shalt  }
0x6a: {  	_ =	shalt  }
0x6b: {  	_ =	shalt  }
0x6c: {  	_ =	shalt  }
0x6d: {  	_ =	shalt  }
0x6e: {  	_ =	shalt  }
0x6f: {  	_ =	shalt  }
0x70: {  	_ =	shalt  }
0x71: {  	_ =	shalt  }
0x72: {  	_ =	shalt  }
0x73: {  	_ =	shalt  }
0x74: {  	_ =	shalt  }
0x75: {  	_ =	shalt  }
0x76: {  	_ =	shalt  }
0x77: {  	_ =	shalt  }
0x78: {  	_ =	shalt  }
0x79: {  	_ =	shalt  }
0x7a: {  	_ =	shalt  }
0x7b: {  	_ =	shalt  }
0x7c: {  	_ =	shalt  }
0x7d: {  	_ =	shalt  }
0x7e: {  	_ =	shalt  }
0x7f: {  	_ =	shalt  }
0x80: {  	_ =	shalt  }
0x81: {  	_ =	shalt  }
0x82: {  	_ =	shalt  }
0x83: {  	_ =	shalt  }
0x84: {  	_ =	shalt  }
0x85: {  	_ =	shalt  }
0x86: {  	_ =	shalt  }
0x87: {  	_ =	shalt  }
.Lfunc_end0:
.L_simem_size_0:
called_computation.2_lowered:
.L_overlay_start_0:
0x88: {  	s2 =	sld [smem:$0x3FD9]  }
0x89: {  	s3 =	sld [smem:$0x3FFE];
	_ =	sdelay $0x1  }
0x8a: {  	s1 =	srdreg.scid  }
0x8b: {  	s0 =	sand.u32 $0x1, s1  }
0x8c: {  	s17 =	sshll.u32 s0, $0xA;
	s2 =	sadd.s32 s3, s2  }
0x8d: {  	s2 =	sadd.s32 s2, s17  }
0x8e: {  	[smem:$0x3FBB] =	sst s2  }
0x8f: {  	_ = 	snop  }
0x90: {  	(tm) =	ssettm $0x1  }
0x91: {  	s18 =	sld [smem:$0x3FFB];
	_ =	sdelay $0x3  }
0x92: {  	_ =	strace s18  }
0x93: {  	s2 =	sld [smem:$0x3FFC];
	_ =	sdelay $0x3  }
0x94: {  	_ =	strace s2  }
0x95: {  	s2 =	sld [smem:$0x3FFD];
	_ =	sdelay $0x3  }
0x96: {  	_ =	strace s2  }
0x97: {  	_ =	strace $0x8FFFFFFF  }
0x98: {  	s19 =	sld [smem:$0x3FDB];
	_ =	sdelay $0x1  }
0x99: {  	s20 =	simm.s32 $_scs_section_size  }
0x9a: {  	s4 =	simm.s32 $_size__tile_overlayer_lowered;
	s5 =	simm.s32 $_tile_overlayer_lowered  }
0x9b: {  	s6 =	simm.s32 $0x1BFF;
	s21 =	sshll.u32 s5, $0x1;
	s3 =	sadd.s32 s20, s19  }
0x9c: {  	s22 =	simm.s32 $0x0;
	s4 =	sshll.u32 s4, $0x1;
	s5 =	sadd.s32 s21, s3  }
0x9d: {  	[timem:s22], [sflag:s6] =	dma.local [hbm:s5], s4  }
0x9e: {  	_ =	swait.ge [sflag:s6], s4  }
0x9f: {  	s4 =	ssub.s32 $0x0, s4;
	[sflag:s6] =	ssyncset.done $0x0  }
0xa0: {  	[sflag:s6] =	ssyncadd.s32 s4;
	_ =	sdelay $0x1  }
0xa1: {  	s23 =	simm.s32 $0x1B8B  }
0xa2: {  	_ =	swait.ge [sflag:s23], $0x1  }
0xa3: {  	[sflag:s23] =	ssyncset.done $0x0  }
0xa4: {  	[sflag:s23] =	ssyncadd.s32 $0xFFFFFFFF  }
0xa5: {  	s4 =	sld [smem:$0x0]  }
0xa6: {  	s5 =	sand.u32 $0xFFFFFFFE, s1  }
0xa7: {  	p0 =	sne.s32 s1, s5  }
0xa8: {  	s5 =	sshll.u32 @p0 s5, $0xE  }
0xa9: {  	s5 =	sadd.s32 @p0 $0x11B8D, s5;
	s6 =	sshll.u32 @p0 s4, $0x11  }
0xaa: {  	s5 =	sor.u32 @p0 s6, s5  }
0xab: {  	[sflag:s5] =	ssyncadd.remote.s32 @p0 $0x1;
	_ =	sdelay $0x1  }
0xac: {  	s5 =	simm.s32 @p0 $0x1B8D  }
0xad: {  	_ =	swait.eq @p0 [sflag:s5], $0x1  }
0xae: {  	[sflag:s5] =	ssyncadd.s32 @p0 $0xFFFFFFFF  }
0xaf: {  	s6 =	sshll.u32 @!p0 s1, $0xE  }
0xb0: {  	s6 =	sor.u32 @!p0 $0x4000, s6;
	s5 =	simm.s32 @!p0 $0x1B8D  }
0xb1: {  	s4 =	sshll.u32 @!p0 s4, $0x11;
	s6 =	sadd.s32 @!p0 $0x11B8D, s6;
	_ =	swait.eq @!p0 [sflag:s5], $0x1  }
0xb2: {  	s4 =	sor.u32 @!p0 s4, s6;
	[sflag:s5] =	ssyncadd.s32 @!p0 $0xFFFFFFFF  }
0xb3: {  	s25 =	simm.s32 $0x1B8E;
	s24 =	sld [smem:$0x3FFE];
	[sflag:s4] =	ssyncadd.remote.s32 @!p0 $0x1  }
0xb4: {  	s26 =	simm.s32 $execute0_lowered;
	[smem:$0x3FD2] =	sst s25  }
0xb5: {  	s5 =	sshll.u32 s26, $0x1;
	_ =	strace $0x8000004C;
	[dreg:$0x1] =	wrdreg $0xFFFFFFFF  }
0xb6: {  	s28 =	simm.s32 $_size_execute0_lowered;
	s3 =	sadd.s32 s3, s5;
	[dreg:$0x0] =	wrdreg $0x0  }
0xb7: {  	s5 =	sshll.u32 s28, $0x1;
	[dreg:$0x2] =	wrdreg s3  }
0xb8: {  	[dreg:$0x3] =	wrdreg s5  }
0xb9: {  	[dreg:$0x4] =	wrdreg $0xC0  }
0xba: {  	_ =	task [dreg:s22], $0x5FFFF  }
0xbb: {  	[dreg:$0x1] =	wrdreg $0xFFFFFFFF  }
0xbc: {  	[dreg:$0x0] =	wrdreg $0x60  }
0xbd: {  	[dreg:$0x2] =	wrdreg s24  }
0xbe: {  	[dreg:$0x3] =	wrdreg $0xB  }
0xbf: {  	_ =	task.clear_ibuf [dreg:s22], $0x4FFFF;
	_ =	strace $0x9000004C  }
0xc0: {  	s29 =	simm.s32 $0xB;
	_ =	strace $0x8000004E  }
0xc1: {  	_ =	swait.ge [sflag:s29], $0x1  }
0xc2: {  	[sflag:s29] =	ssyncadd.s32 $0xFFFFFFFF  }
0xc3: {  	_ =	strace $0x9000004E  }
0xc4: {  	_ =	sfence  }
0xc5: {  	s30 =	sld [smem:$0x0];
	_ =	sdelay $0x2  }
0xc6: {  	s31 =	sshll.u32 s1, $0xD;
	s1 =	sshrl.u32 s1, $0x2  }
0xc7: {  	s4 =	sand.u32 $0x4000, s31;
	s1 =	sadd.s32 s1, s30  }
0xc8: {  	s0 =	sor.u32 s4, s0;
	s1 =	sshll.u32 s1, $0x11  }
0xc9: {  	s0 =	sor.u32 s1, s0  }
0xca: {  	s0 =	sadd.s32 $0x8F2B, s0  }
0xcb: {  	[sflag:s0] =	ssyncadd.remote.s32 $0x1  }
0xcc: {  	_ =	sfence.sel $0xFFFF  }
0xcd: {  	[dreg:$0x0] =	wrdreg $0xFFFFFFFF;
	(pc) =	sbr.abs _section_cstart, $3  }
0xce: {  	[dreg:$0x1] =	wrdreg $0xFFFFFFFF  }
0xcf: {  	_ =	task.clear_ibuf [dreg:s22], $0x2FFFF;
	_ =	strace $0x9FFFFFFF  }
0xd0: {  	(tm) =	ssettm $0x7FFFFFFF  }
0xd1: {  	_ =	shalt  }
tec
execute0_lowered:
.L_overlay_start_1:
0x0: {  	(tag) =	ssettag $0x1  }
0x1: {  	s1 =	srdreg.scid  }
0x2: {  	s0 =	stileid.u32;
	s5 =	rddreg [dreg:$0x0];
	s2 =	simm.s32 $0x0  }
0x3: {  	s10 =	simm.s32 $0x9;
	s11 =	simm.s32 $0x80;
	s12 =	simm.s32 $0x1  }
0x4: {  	s13 =	simm.s32 $0x2;
	s14 =	simm.s32 $0x3;
	s15 =	simm.s32 $0x4  }
0x5: {  	s16 =	simm.s32 $0x5;
	s17 =	simm.s32 $0x6;
	s18 =	simm.s32 $0x7  }
0x6: {  	s19 =	simm.s32 $0x8;
	s20 =	simm.s32 $0xD00;
	s21 =	simm.s32 $0x7500  }
0x7: {  	s6 =	sand.u32 $0x1, s1;
	s3 =	sshll.u32 s0, $0x1;
	s1 =	rddreg [dreg:$0x1]  }
0x8: {  	s22 =	simm.s32 $0x0;
	[smem:$0x7FF] =	sst s2;
	s4 =	sor.u32 s6, s3  }
0x9: {  	_ =	strace $0x8000004D;
	s6 =	ssub.s32 $0x2, s6;
	s7 =	smul.u32 $0xD0, s4  }
0xa: {  	s3 =	sadd.s32 $0x4E00, s5;
	s8 =	smul.u32 $0xD00, s4;
	s9 =	sshrl.u32 s6, $0x1  }
0xb: {  	s4 =	sadd.s32 $0x515A00, s5;
	s9 =	ssub.s32 s6, s9;
	s7 =	sadd.s32 s7, s5  }
0xc: {  	s8 =	sadd.s32 s8, s5;
	s5 =	sadd.s32 $0xA29A00, s7;
	s6 =	sadd.s32 $0xA28000, s7  }
0xd: {  	s9 =	smax.u32 s9, $0x1;
	s7 =	sadd.s32 $0xA45400, s8;
	s8 =	sadd.s32 $0xA2B400, s8  }
.LBB2_1:
0xe: {  	[tilespmem:s2], [sflag:$0x9] =	stream.linear.gather [hbm4b:s5+s2], $0x680, $0x38;
	[tilespmem:$0xDD00] =	vst v63  }
0xf: {  	_ =	swait.ge [sflag:s10], $0x680  }
0x10: {  	[sflag:s10] =	ssyncset.done $0x0  }
0x11: {  	s23 =	simm.s32 $0x680;
	[sflag:s10] =	ssyncadd.s32 $0xFFFFF980  }
0x12: {  	[tilespmem:s23], [sflag:$0x9] =	stream.linear.gather [hbm4b:s6+s2], $0x680, $0x38;
	[tilespmem:$0xDD00] =	vst v63  }
0x13: {  	_ =	swait.ge [sflag:s10], $0x680  }
0x14: {  	s24 =	sand.u32 $0x6, s2;
	[sflag:s10] =	ssyncset.done $0x0  }
0x15: {  	s25 =	sor.u32 $0x1, s24;
	[sflag:s10] =	ssyncadd.s32 $0xFFFFF980  }
0x16: {  	[tilespmem:s20], [sflag:s25] =	stream.indirect.gather [hbm4b:s3+s11], $0x10, s2, s11, $0xb8;
	[tilespmem:$0xDD00] =	vst v63  }
0x17: {  	s26 =	simm.s32 $0xD00;
	s24 =	sadd.s32 $0x2, s24  }
0x18: {  	[tilespmem:s21], [sflag:s24] =	stream.indirect.gather [hbm4b:s4+s11], $0x10, s23, s11, $0xb8;
	[tilespmem:$0xDD00] =	vst v63  }
0x19: {  	s28 =	simm.s32 $0x7500;
	s25 =	simm.s32 $0x0;
	s24 =	simm.s32 $0x2  }
.LBB2_2:
0x1a: {  	p0 =	sne.s32 s24, $0x18  }
.Ltmp0:
0x1b: {  	s29 =	sand.u32 $0x6, s24;
	s24 =	sadd.s32 $0x2, s24;
	(pc) =	sbr.rel @p0 .LBB2_2-.Ltmp0, $4  }
0x1c: {  	s25 =	sadd.s32 $0x80, s25;
	s26 =	sadd.s32 $0x800, s26;
	s30 =	sor.u32 $0x1, s29  }
0x1d: {  	[tilespmem:s26], [sflag:s30] =	stream.indirect.gather [hbm4b:s3+s11], $0x10, s25, s11, $0xb8;
	[tilespmem:$0xDD00] =	vst v63  }
0x1e: {  	s23 =	sadd.s32 $0x80, s23;
	s28 =	sadd.s32 $0x800, s28;
	s29 =	sadd.s32 $0x2, s29  }
0x1f: {  	[tilespmem:s28], [sflag:s29] =	stream.indirect.gather [hbm4b:s4+s11], $0x10, s23, s11, $0xb8;
	[tilespmem:$0xDD00] =	vst v63  }
0x20: {  	_ =	swait.ge [sflag:s12], $0x800  }
0x21: {  	[sflag:s12] =	ssyncset.done $0x0  }
0x22: {  	[sflag:s12] =	ssyncadd.s32 $0xFFFFF800  }
0x23: {  	_ =	swait.ge [sflag:s13], $0x800  }
0x24: {  	[sflag:s13] =	ssyncset.done $0x0  }
0x25: {  	[sflag:s13] =	ssyncadd.s32 $0xFFFFF800  }
0x26: {  	_ =	swait.ge [sflag:s14], $0x800  }
0x27: {  	[sflag:s14] =	ssyncset.done $0x0  }
0x28: {  	[sflag:s14] =	ssyncadd.s32 $0xFFFFF800  }
0x29: {  	_ =	swait.ge [sflag:s15], $0x800  }
0x2a: {  	[sflag:s15] =	ssyncset.done $0x0  }
0x2b: {  	[sflag:s15] =	ssyncadd.s32 $0xFFFFF800  }
0x2c: {  	_ =	swait.ge [sflag:s16], $0x800  }
0x2d: {  	[sflag:s16] =	ssyncset.done $0x0  }
0x2e: {  	[sflag:s16] =	ssyncadd.s32 $0xFFFFF800  }
0x2f: {  	_ =	swait.ge [sflag:s17], $0x800  }
0x30: {  	[sflag:s17] =	ssyncset.done $0x0  }
0x31: {  	[sflag:s17] =	ssyncadd.s32 $0xFFFFF800  }
0x32: {  	_ =	swait.ge [sflag:s18], $0x800  }
0x33: {  	[sflag:s18] =	ssyncset.done $0x0  }
0x34: {  	[sflag:s18] =	ssyncadd.s32 $0xFFFFF800  }
0x35: {  	_ =	swait.ge [sflag:s19], $0x800  }
0x36: {  	[sflag:s19] =	ssyncset.done $0x0  }
0x37: {  	[sflag:s19] =	ssyncadd.s32 $0xFFFFF800  }
0x38: {  	_ =	swait.ge [sflag:s12], $0x800  }
0x39: {  	[sflag:s12] =	ssyncset.done $0x0  }
0x3a: {  	[sflag:s12] =	ssyncadd.s32 $0xFFFFF800  }
0x3b: {  	_ =	swait.ge [sflag:s13], $0x800  }
0x3c: {  	[sflag:s13] =	ssyncset.done $0x0  }
0x3d: {  	[sflag:s13] =	ssyncadd.s32 $0xFFFFF800  }
0x3e: {  	_ =	swait.ge [sflag:s14], $0x800  }
0x3f: {  	[sflag:s14] =	ssyncset.done $0x0  }
0x40: {  	[sflag:s14] =	ssyncadd.s32 $0xFFFFF800  }
0x41: {  	_ =	swait.ge [sflag:s15], $0x800  }
0x42: {  	[sflag:s15] =	ssyncset.done $0x0  }
0x43: {  	[sflag:s15] =	ssyncadd.s32 $0xFFFFF800  }
0x44: {  	_ =	swait.ge [sflag:s16], $0x800  }
0x45: {  	[sflag:s16] =	ssyncset.done $0x0  }
0x46: {  	[sflag:s16] =	ssyncadd.s32 $0xFFFFF800  }
0x47: {  	_ =	swait.ge [sflag:s17], $0x800  }
0x48: {  	[sflag:s17] =	ssyncset.done $0x0  }
0x49: {  	[sflag:s17] =	ssyncadd.s32 $0xFFFFF800  }
0x4a: {  	_ =	swait.ge [sflag:s18], $0x800  }
0x4b: {  	[sflag:s18] =	ssyncset.done $0x0  }
0x4c: {  	[sflag:s18] =	ssyncadd.s32 $0xFFFFF800  }
0x4d: {  	_ =	swait.ge [sflag:s19], $0x800  }
0x4e: {  	[sflag:s19] =	ssyncset.done $0x0  }
0x4f: {  	[sflag:s19] =	ssyncadd.s32 $0xFFFFF800  }
0x50: {  	_ =	swait.ge [sflag:s12], $0x800  }
0x51: {  	[sflag:s12] =	ssyncset.done $0x0  }
0x52: {  	[sflag:s12] =	ssyncadd.s32 $0xFFFFF800  }
0x53: {  	_ =	swait.ge [sflag:s13], $0x800  }
0x54: {  	[sflag:s13] =	ssyncset.done $0x0  }
0x55: {  	[sflag:s13] =	ssyncadd.s32 $0xFFFFF800  }
0x56: {  	_ =	swait.ge [sflag:s14], $0x800  }
0x57: {  	[sflag:s14] =	ssyncset.done $0x0  }
0x58: {  	[sflag:s14] =	ssyncadd.s32 $0xFFFFF800  }
0x59: {  	_ =	swait.ge [sflag:s15], $0x800  }
0x5a: {  	[sflag:s15] =	ssyncset.done $0x0  }
0x5b: {  	[sflag:s15] =	ssyncadd.s32 $0xFFFFF800  }
0x5c: {  	_ =	swait.ge [sflag:s16], $0x800  }
0x5d: {  	[sflag:s16] =	ssyncset.done $0x0  }
0x5e: {  	[sflag:s16] =	ssyncadd.s32 $0xFFFFF800  }
0x5f: {  	_ =	swait.ge [sflag:s17], $0x800  }
0x60: {  	[sflag:s17] =	ssyncset.done $0x0  }
0x61: {  	[sflag:s17] =	ssyncadd.s32 $0xFFFFF800  }
0x62: {  	_ =	swait.ge [sflag:s18], $0x800  }
0x63: {  	[sflag:s18] =	ssyncset.done $0x0  }
0x64: {  	[sflag:s18] =	ssyncadd.s32 $0xFFFFF800  }
0x65: {  	_ =	swait.ge [sflag:s19], $0x800  }
0x66: {  	[sflag:s19] =	ssyncset.done $0x0  }
0x67: {  	[sflag:s19] =	ssyncadd.s32 $0xFFFFF800  }
0x68: {  	_ =	swait.ge [sflag:s12], $0x800  }
0x69: {  	[sflag:s12] =	ssyncset.done $0x0  }
0x6a: {  	[sflag:s12] =	ssyncadd.s32 $0xFFFFF800  }
0x6b: {  	_ =	swait.ge [sflag:s13], $0x800  }
0x6c: {  	[sflag:s13] =	ssyncset.done $0x0  }
0x6d: {  	[sflag:s13] =	ssyncadd.s32 $0xFFFFF800  }
0x6e: {  	[hbm4b:s7+s2] =	stream.linear.scatter [tilespmem:s20], [sflag:$0x9], $0x6800, $0x38;
	[tilespmem:$0xDD00] =	vst v63  }
0x6f: {  	s22 =	sadd.s32 $0x1, s22;
	_ =	swait.ge [sflag:s10], $0x6800  }
0x70: {  	p0 =	sne.s32 s22, s9;
	[sflag:s10] =	ssyncset.done $0x0  }
.Ltmp1:
0x71: {  	[sflag:s10] =	ssyncadd.s32 $0xFFFF9800;
	(pc) =	sbr.rel @p0 .LBB2_1-.Ltmp1, $4  }
0x72: {  	[hbm4b:s8+s2] =	stream.linear.scatter [tilespmem:s21], [sflag:$0x9], $0x6800, $0x38;
	[tilespmem:$0xDD00] =	vst v63  }
0x73: {  	_ =	swait.ge [sflag:s10], $0x6800  }
0x74: {  	[sflag:s10] =	ssyncset.done $0x0  }
0x75: {  	[sflag:s10] =	ssyncadd.s32 $0xFFFF9800  }
0x76: {  	_ =	sfence.sel $0x180000  }
0x77: {  	[bflag:$0x0] =	sbarrier.arrive $0xFFFF  }
0x78: {  	p0 =	sne.s32 s0, $0x0;
	_ =	strace $0x9000004D  }
0x79: {  	s0 =	sadd.s32 @!p0 $0x100000, s1;
	[bflag:$0x2] =	sbarrier.arrive $0xFFFF  }
0x7a: {  	[sflag:s0] =	ssyncadd.tile.s32 @!p0 $0x1;
	_ =	shalt  }
.Lfunc_end2:
_tile_overlayer_lowered:
.L_overlay_start_2:
0x7b: {  	(tag) =	ssettag $0x2  }
0x7c: {  	s0 =	rddreg [dreg:$0x0];
	s2 =	stileid.u32  }
0x7d: {  	s1 =	rddreg [dreg:$0x1];
	p0 =	sne.s32 s2, $0x0  }
0x7e: {  	s3 =	rddreg [dreg:$0x2];
	[bflag:$0x3] =	sbarrier.arrive $0xFFFF;
	s2 =	simm.s32 @!p0 $0x1C09  }
0x7f: {  	[timem:s3], [sflag:s2] =	dma.local @!p0 [hbm:s0], s1  }
0x80: {  	s0 =	simm.s32 @!p0 $0x9  }
0x81: {  	_ =	swait.ge @!p0 [sflag:s0], s1  }
0x82: {  	s1 =	ssub.s32 @!p0 $0x0, s1;
	[sflag:s0] =	ssyncset.done @!p0 $0x0  }
0x83: {  	[sflag:s0] =	ssyncadd.s32 @!p0 s1  }
0x84: {  	[bflag:$0x3] =	sbarrier.arrive $0xFFFF  }
0x85: {  	_ =	shalt  }

</sc_bundles>
